<compile_context>
chip_gen: v7x
topology: tpu7x:2x2x1
jax: 0.10.2.dev20260603
libtpu: 0.0.44.dev20260713+nightly
codegen_flags: <defaults>
</compile_context>

<pallas_src>
import functools

import jax
import jax.numpy as jnp
from jax import lax
from jax.experimental import pallas as pl
from jax.experimental.pallas import tpu as pltpu
from jax.experimental.pallas import tpu_sc as plsc

INPUT_DIM = 100000
EMBED_DIM = 128
BATCH = 4096
SEQ = 200

NUM_CORES = 2
NUM_SUBCORES = 16
NW = NUM_CORES * NUM_SUBCORES

TOTAL = BATCH * SEQ
B_PER_W = TOTAL // NW
CHUNK = 128
STEPS = B_PER_W // CHUNK
NBUF = 5
GAHEAD = 3
OLAG = 2


def _embed_kernel(idx_hbm, tbl_hbm, out_hbm, idx_all, rows, sem_g, sem_o):
    wid = lax.axis_index("s") * NUM_CORES + lax.axis_index("c")
    base = wid * B_PER_W

    pltpu.sync_copy(idx_hbm.at[wid], idx_all)

    def start_gather(i, b):
        pltpu.async_copy(tbl_hbm.at[idx_all.at[i]], rows[b], sem_g[b])

    def wait_gather(i, b):
        pltpu.make_async_copy(tbl_hbm.at[idx_all.at[i]], rows[b],
                              sem_g[b]).wait()

    def start_out(i, b):
        pltpu.async_copy(rows[b], out_hbm.at[pl.ds(base + i * CHUNK, CHUNK)],
                         sem_o[b])

    def wait_out(i, b):
        pltpu.make_async_copy(rows[b],
                              out_hbm.at[pl.ds(base + i * CHUNK, CHUNK)],
                              sem_o[b]).wait()

    def slot(i, b, do_wait_out, do_start_gather):
        wait_gather(i, b % NBUF)
        start_out(i, b % NBUF)
        if do_wait_out:
            wait_out(i - OLAG, (b - OLAG) % NBUF)
        if do_start_gather:
            start_gather(i + GAHEAD, (b + GAHEAD) % NBUF)

    for b in range(GAHEAD):
        start_gather(b, b)

    for i in range(NBUF):
        slot(i, i, i >= OLAG, True)

    def it_body(it, carry):
        for b in range(NBUF):
            slot(it * NBUF + b, b, True, True)
        return carry

    lax.fori_loop(1, STEPS // NBUF - 1, it_body, 0)

    for i in range(STEPS - NBUF, STEPS):
        slot(i, i, True, i + GAHEAD < STEPS)
    for i in range(STEPS - OLAG, STEPS):
        wait_out(i, i % NBUF)


@jax.jit
def _embed(x_blk, wts):
    run = pl.kernel(
        _embed_kernel,
        out_type=jax.ShapeDtypeStruct((TOTAL, EMBED_DIM), jnp.float32),
        mesh=plsc.VectorSubcoreMesh(core_axis_name="c", subcore_axis_name="s"),
        scratch_types=[
            pltpu.VMEM((STEPS, CHUNK), jnp.int32),
            [pltpu.VMEM((CHUNK, EMBED_DIM), jnp.float32)] * NBUF,
            [pltpu.SemaphoreType.DMA] * NBUF,
            [pltpu.SemaphoreType.DMA] * NBUF,
        ],
    )
    return run(x_blk, wts)


def kernel(x, wts):
    out = _embed(x.reshape(NW, STEPS, CHUNK), wts)
    return out.reshape(BATCH, SEQ, EMBED_DIM)

# --- scband reference (transcript-rebuilt; emitter-appended) ---
"""Pipeline reference for scband-embedding-14894946582555 (READ-ONLY COPY).

The authoritative reference and input builder live on the scoring server;
editing this copy changes nothing except your own understanding.
"""

import jax, jax.numpy as jnp
import numpy as np

INPUT_DIM = 100000
EMBED_DIM = 128
BATCH = 4096
SEQ = 200

def setup_inputs(seed: int = 0) -> dict:
    key = jax.random.key(seed)
    k1, k2 = jax.random.split(key)
    x = jax.random.randint(k1, (BATCH, SEQ), 0, INPUT_DIM, dtype=jnp.int32)
    std_dev = jnp.sqrt(2.0 / INPUT_DIM)  # He init (kaiming gain 2.0), no bias
    wts = jax.random.normal(k2, (INPUT_DIM, EMBED_DIM), dtype=jnp.float32) * std_dev
    return {"x": x, "wts": wts}

def reference(x, wts):
    # Embedding.compute_net_input: tf.gather(self.wts, x) -> shape (B, T, H)
    return jnp.take(wts, x, axis=0)

if __name__ == "__main__":
    import jax
    _d = setup_inputs()
    print(jax.jit(kernel)(*tuple(_d.values())))

</pallas_src>

<mosaic_0001>
#map = affine_map<(d0, d1) -> (0, 0, 0)>
#map1 = affine_map<(d0, d1) -> (0, 0)>
module attributes {stable_mosaic.version = 14 : i64} {
  func.func @_embed_kernel(%arg0: i32, %arg1: i32, %arg2: memref<32x200x128xi32, #tpu.memory_space<hbm>>, %arg3: memref<100000x128xf32, #tpu.memory_space<hbm>>, %arg4: memref<819200x128xf32, #tpu.memory_space<hbm>>, %arg5: memref<200x128xi32, #tpu.memory_space<vmem>>, %arg6: memref<128x128xf32, #tpu.memory_space<vmem>>, %arg7: memref<128x128xf32, #tpu.memory_space<vmem>>, %arg8: memref<128x128xf32, #tpu.memory_space<vmem>>, %arg9: memref<128x128xf32, #tpu.memory_space<vmem>>, %arg10: memref<128x128xf32, #tpu.memory_space<vmem>>, %arg11: memref<!tpu.dma_semaphore, #tpu.memory_space<semaphore_mem>>, %arg12: memref<!tpu.dma_semaphore, #tpu.memory_space<semaphore_mem>>, %arg13: memref<!tpu.dma_semaphore, #tpu.memory_space<semaphore_mem>>, %arg14: memref<!tpu.dma_semaphore, #tpu.memory_space<semaphore_mem>>, %arg15: memref<!tpu.dma_semaphore, #tpu.memory_space<semaphore_mem>>, %arg16: memref<!tpu.dma_semaphore, #tpu.memory_space<semaphore_mem>>, %arg17: memref<!tpu.dma_semaphore, #tpu.memory_space<semaphore_mem>>, %arg18: memref<!tpu.dma_semaphore, #tpu.memory_space<semaphore_mem>>, %arg19: memref<!tpu.dma_semaphore, #tpu.memory_space<semaphore_mem>>, %arg20: memref<!tpu.dma_semaphore, #tpu.memory_space<semaphore_mem>>) attributes {dimension_semantics = [#tpu.dimension_semantics<core_parallel>, #tpu.dimension_semantics<subcore_parallel>], iteration_bounds = array<i64: 2, 16>, scalar_prefetch = 0 : i64, scratch_operands = 16 : i64, tpu.core_type = #tpu.core_type<sc_vector_subcore>, window_params = [{transform_indices = #map}, {transform_indices = #map1}, {transform_indices = #map1}]} {
    %mul3A = arith.constant 2 : i32
    %mul3A_0 = arith.muli %arg1, %mul3A : i32
    %add3A = arith.addi %mul3A_0, %arg0 : i32
    %mul3A_1 = arith.constant 25600 : i32
    %mul3A_2 = arith.muli %add3A, %mul3A_1 : i32
    "tpu.region"() ({
      %run_scoped3A = tpu.sem_alloc : memref<!tpu.dma_semaphore, #tpu.memory_space<semaphore_mem>>
      %dma_start3A_266 = arith.constant 0 : i32
      %dma_start3A_267 = arith.constant 0 : i32
      %dma_start3A_268 = tpu.memref_slice %arg2[%add3A, %dma_start3A_266, %dma_start3A_267] : memref<32x200x128xi32, #tpu.memory_space<hbm>> -> memref<1x200x128xi32, #tpu.memory_space<hbm>>
      %dma_start3A_269 = tpu.memref_squeeze %dma_start3A_268 : memref<1x200x128xi32, #tpu.memory_space<hbm>> -> memref<200x128xi32, #tpu.memory_space<hbm>>
      %dma_start3A_270 = arith.constant 0 : i32
      %dma_start3A_271 = arith.constant 0 : i32
      %dma_start3A_272 = tpu.memref_slice %arg2[%add3A, %dma_start3A_270, %dma_start3A_271] : memref<32x200x128xi32, #tpu.memory_space<hbm>> -> memref<1x200x128xi32, #tpu.memory_space<hbm>>
      %dma_start3A_273 = tpu.memref_squeeze %dma_start3A_272 : memref<1x200x128xi32, #tpu.memory_space<hbm>> -> memref<200x128xi32, #tpu.memory_space<hbm>>
      tpu.enqueue_dma source(%dma_start3A_273 : memref<200x128xi32, #tpu.memory_space<hbm>>) target(%arg5 : memref<200x128xi32, #tpu.memory_space<vmem>>) target_semaphore(%run_scoped3A : memref<!tpu.dma_semaphore, #tpu.memory_space<semaphore_mem>>)
      %dma_wait3A_274 = arith.constant 0 : i32
      %dma_wait3A_275 = arith.constant 0 : i32
      %dma_wait3A_276 = tpu.memref_slice %arg2[%add3A, %dma_wait3A_274, %dma_wait3A_275] : memref<32x200x128xi32, #tpu.memory_space<hbm>> -> memref<1x200x128xi32, #tpu.memory_space<hbm>>
      %dma_wait3A_277 = tpu.memref_squeeze %dma_wait3A_276 : memref<1x200x128xi32, #tpu.memory_space<hbm>> -> memref<200x128xi32, #tpu.memory_space<hbm>>
      %dma_wait3A_278 = arith.constant 0 : i32
      %dma_wait3A_279 = arith.constant 0 : i32
      %dma_wait3A_280 = tpu.memref_slice %arg2[%add3A, %dma_wait3A_278, %dma_wait3A_279] : memref<32x200x128xi32, #tpu.memory_space<hbm>> -> memref<1x200x128xi32, #tpu.memory_space<hbm>>
      %dma_wait3A_281 = tpu.memref_squeeze %dma_wait3A_280 : memref<1x200x128xi32, #tpu.memory_space<hbm>> -> memref<200x128xi32, #tpu.memory_space<hbm>>
      tpu.wait_dma2 semaphore(%run_scoped3A : memref<!tpu.dma_semaphore, #tpu.memory_space<semaphore_mem>>) src(%dma_wait3A_281 : memref<200x128xi32, #tpu.memory_space<hbm>>) dst(%arg5 : memref<200x128xi32, #tpu.memory_space<vmem>>)
      tpu.yield
    }) : () -> ()
    %dma_start3A = arith.constant 0 : i32
    %dma_start3A_3 = arith.constant 0 : i32
    %dma_start3A_4 = tpu.memref_slice %arg5[%dma_start3A, %dma_start3A_3] : memref<200x128xi32, #tpu.memory_space<vmem>> -> memref<1x128xi32, #tpu.memory_space<vmem>>
    %dma_start3A_5 = tpu.memref_squeeze %dma_start3A_4 : memref<1x128xi32, #tpu.memory_space<vmem>> -> memref<128xi32, #tpu.memory_space<vmem>>
    %dma_start3A_6 = arith.constant 0 : i32
    %dma_start3A_7 = arith.constant 0 : i32
    %dma_start3A_8 = tpu.memref_slice %arg3[%dma_start3A_6, %dma_start3A_7] : memref<100000x128xf32, #tpu.memory_space<hbm>> -> memref<100000x128xf32, #tpu.memory_space<hbm>>
    tpu.enqueue_indirect_dma source(%dma_start3A_8 : memref<100000x128xf32, #tpu.memory_space<hbm>>) target(%arg6 : memref<128x128xf32, #tpu.memory_space<vmem>>) offsets(%dma_start3A_5 : memref<128xi32, #tpu.memory_space<vmem>>) semaphore(%arg11 : memref<!tpu.dma_semaphore, #tpu.memory_space<semaphore_mem>>)
    %dma_start3A_9 = arith.constant 1 : i32
    %dma_start3A_10 = arith.constant 0 : i32
    %dma_start3A_11 = tpu.memref_slice %arg5[%dma_start3A_9, %dma_start3A_10] : memref<200x128xi32, #tpu.memory_space<vmem>> -> memref<1x128xi32, #tpu.memory_space<vmem>>
    %dma_start3A_12 = tpu.memref_squeeze %dma_start3A_11 : memref<1x128xi32, #tpu.memory_space<vmem>> -> memref<128xi32, #tpu.memory_space<vmem>>
    %dma_start3A_13 = arith.constant 0 : i32
    %dma_start3A_14 = arith.constant 0 : i32
    %dma_start3A_15 = tpu.memref_slice %arg3[%dma_start3A_13, %dma_start3A_14] : memref<100000x128xf32, #tpu.memory_space<hbm>> -> memref<100000x128xf32, #tpu.memory_space<hbm>>
    tpu.enqueue_indirect_dma source(%dma_start3A_15 : memref<100000x128xf32, #tpu.memory_space<hbm>>) target(%arg7 : memref<128x128xf32, #tpu.memory_space<vmem>>) offsets(%dma_start3A_12 : memref<128xi32, #tpu.memory_space<vmem>>) semaphore(%arg12 : memref<!tpu.dma_semaphore, #tpu.memory_space<semaphore_mem>>)
    %dma_start3A_16 = arith.constant 2 : i32
    %dma_start3A_17 = arith.constant 0 : i32
    %dma_start3A_18 = tpu.memref_slice %arg5[%dma_start3A_16, %dma_start3A_17] : memref<200x128xi32, #tpu.memory_space<vmem>> -> memref<1x128xi32, #tpu.memory_space<vmem>>
    %dma_start3A_19 = tpu.memref_squeeze %dma_start3A_18 : memref<1x128xi32, #tpu.memory_space<vmem>> -> memref<128xi32, #tpu.memory_space<vmem>>
    %dma_start3A_20 = arith.constant 0 : i32
    %dma_start3A_21 = arith.constant 0 : i32
    %dma_start3A_22 = tpu.memref_slice %arg3[%dma_start3A_20, %dma_start3A_21] : memref<100000x128xf32, #tpu.memory_space<hbm>> -> memref<100000x128xf32, #tpu.memory_space<hbm>>
    tpu.enqueue_indirect_dma source(%dma_start3A_22 : memref<100000x128xf32, #tpu.memory_space<hbm>>) target(%arg8 : memref<128x128xf32, #tpu.memory_space<vmem>>) offsets(%dma_start3A_19 : memref<128xi32, #tpu.memory_space<vmem>>) semaphore(%arg13 : memref<!tpu.dma_semaphore, #tpu.memory_space<semaphore_mem>>)
    %dma_wait3A = arith.constant 0 : i32
    %dma_wait3A_23 = arith.constant 0 : i32
    %dma_wait3A_24 = tpu.memref_slice %arg5[%dma_wait3A, %dma_wait3A_23] : memref<200x128xi32, #tpu.memory_space<vmem>> -> memref<1x128xi32, #tpu.memory_space<vmem>>
    %dma_wait3A_25 = tpu.memref_squeeze %dma_wait3A_24 : memref<1x128xi32, #tpu.memory_space<vmem>> -> memref<128xi32, #tpu.memory_space<vmem>>
    %dma_wait3A_26 = arith.constant 0 : i32
    %dma_wait3A_27 = arith.constant 0 : i32
    %dma_wait3A_28 = tpu.memref_slice %arg3[%dma_wait3A_26, %dma_wait3A_27] : memref<100000x128xf32, #tpu.memory_space<hbm>> -> memref<100000x128xf32, #tpu.memory_space<hbm>>
    tpu.wait_indirect_dma semaphore(%arg11 : memref<!tpu.dma_semaphore, #tpu.memory_space<semaphore_mem>>) src(%dma_wait3A_28 : memref<100000x128xf32, #tpu.memory_space<hbm>>) dst(%arg6 : memref<128x128xf32, #tpu.memory_space<vmem>>)
    %add3A_29 = arith.constant 0 : i32
    %add3A_30 = arith.addi %mul3A_2, %add3A_29 : i32
    %dma_start3A_31 = arith.constant 0 : i32
    %dma_start3A_32 = tpu.memref_slice %arg4[%add3A_30, %dma_start3A_31] : memref<819200x128xf32, #tpu.memory_space<hbm>> -> memref<128x128xf32, #tpu.memory_space<hbm>>
    %dma_start3A_33 = arith.constant 0 : i32
    %dma_start3A_34 = tpu.memref_slice %arg4[%add3A_30, %dma_start3A_33] : memref<819200x128xf32, #tpu.memory_space<hbm>> -> memref<128x128xf32, #tpu.memory_space<hbm>>
    tpu.enqueue_dma source(%arg6 : memref<128x128xf32, #tpu.memory_space<vmem>>) target(%dma_start3A_34 : memref<128x128xf32, #tpu.memory_space<hbm>>) target_semaphore(%arg16 : memref<!tpu.dma_semaphore, #tpu.memory_space<semaphore_mem>>)
    %dma_start3A_35 = arith.constant 3 : i32
    %dma_start3A_36 = arith.constant 0 : i32
    %dma_start3A_37 = tpu.memref_slice %arg5[%dma_start3A_35, %dma_start3A_36] : memref<200x128xi32, #tpu.memory_space<vmem>> -> memref<1x128xi32, #tpu.memory_space<vmem>>
    %dma_start3A_38 = tpu.memref_squeeze %dma_start3A_37 : memref<1x128xi32, #tpu.memory_space<vmem>> -> memref<128xi32, #tpu.memory_space<vmem>>
    %dma_start3A_39 = arith.constant 0 : i32
    %dma_start3A_40 = arith.constant 0 : i32
    %dma_start3A_41 = tpu.memref_slice %arg3[%dma_start3A_39, %dma_start3A_40] : memref<100000x128xf32, #tpu.memory_space<hbm>> -> memref<100000x128xf32, #tpu.memory_space<hbm>>
    tpu.enqueue_indirect_dma source(%dma_start3A_41 : memref<100000x128xf32, #tpu.memory_space<hbm>>) target(%arg9 : memref<128x128xf32, #tpu.memory_space<vmem>>) offsets(%dma_start3A_38 : memref<128xi32, #tpu.memory_space<vmem>>) semaphore(%arg14 : memref<!tpu.dma_semaphore, #tpu.memory_space<semaphore_mem>>)
    %dma_wait3A_42 = arith.constant 1 : i32
    %dma_wait3A_43 = arith.constant 0 : i32
    %dma_wait3A_44 = tpu.memref_slice %arg5[%dma_wait3A_42, %dma_wait3A_43] : memref<200x128xi32, #tpu.memory_space<vmem>> -> memref<1x128xi32, #tpu.memory_space<vmem>>
    %dma_wait3A_45 = tpu.memref_squeeze %dma_wait3A_44 : memref<1x128xi32, #tpu.memory_space<vmem>> -> memref<128xi32, #tpu.memory_space<vmem>>
    %dma_wait3A_46 = arith.constant 0 : i32
    %dma_wait3A_47 = arith.constant 0 : i32
    %dma_wait3A_48 = tpu.memref_slice %arg3[%dma_wait3A_46, %dma_wait3A_47] : memref<100000x128xf32, #tpu.memory_space<hbm>> -> memref<100000x128xf32, #tpu.memory_space<hbm>>
    tpu.wait_indirect_dma semaphore(%arg12 : memref<!tpu.dma_semaphore, #tpu.memory_space<semaphore_mem>>) src(%dma_wait3A_48 : memref<100000x128xf32, #tpu.memory_space<hbm>>) dst(%arg7 : memref<128x128xf32, #tpu.memory_space<vmem>>)
    %add3A_49 = arith.constant 128 : i32
    %add3A_50 = arith.addi %mul3A_2, %add3A_49 : i32
    %dma_start3A_51 = arith.constant 0 : i32
    %dma_start3A_52 = tpu.memref_slice %arg4[%add3A_50, %dma_start3A_51] : memref<819200x128xf32, #tpu.memory_space<hbm>> -> memref<128x128xf32, #tpu.memory_space<hbm>>
    %dma_start3A_53 = arith.constant 0 : i32
    %dma_start3A_54 = tpu.memref_slice %arg4[%add3A_50, %dma_start3A_53] : memref<819200x128xf32, #tpu.memory_space<hbm>> -> memref<128x128xf32, #tpu.memory_space<hbm>>
    tpu.enqueue_dma source(%arg7 : memref<128x128xf32, #tpu.memory_space<vmem>>) target(%dma_start3A_54 : memref<128x128xf32, #tpu.memory_space<hbm>>) target_semaphore(%arg17 : memref<!tpu.dma_semaphore, #tpu.memory_space<semaphore_mem>>)
    %dma_start3A_55 = arith.constant 4 : i32
    %dma_start3A_56 = arith.constant 0 : i32
    %dma_start3A_57 = tpu.memref_slice %arg5[%dma_start3A_55, %dma_start3A_56] : memref<200x128xi32, #tpu.memory_space<vmem>> -> memref<1x128xi32, #tpu.memory_space<vmem>>
    %dma_start3A_58 = tpu.memref_squeeze %dma_start3A_57 : memref<1x128xi32, #tpu.memory_space<vmem>> -> memref<128xi32, #tpu.memory_space<vmem>>
    %dma_start3A_59 = arith.constant 0 : i32
    %dma_start3A_60 = arith.constant 0 : i32
    %dma_start3A_61 = tpu.memref_slice %arg3[%dma_start3A_59, %dma_start3A_60] : memref<100000x128xf32, #tpu.memory_space<hbm>> -> memref<100000x128xf32, #tpu.memory_space<hbm>>
    tpu.enqueue_indirect_dma source(%dma_start3A_61 : memref<100000x128xf32, #tpu.memory_space<hbm>>) target(%arg10 : memref<128x128xf32, #tpu.memory_space<vmem>>) offsets(%dma_start3A_58 : memref<128xi32, #tpu.memory_space<vmem>>) semaphore(%arg15 : memref<!tpu.dma_semaphore, #tpu.memory_space<semaphore_mem>>)
    %dma_wait3A_62 = arith.constant 2 : i32
    %dma_wait3A_63 = arith.constant 0 : i32
    %dma_wait3A_64 = tpu.memref_slice %arg5[%dma_wait3A_62, %dma_wait3A_63] : memref<200x128xi32, #tpu.memory_space<vmem>> -> memref<1x128xi32, #tpu.memory_space<vmem>>
    %dma_wait3A_65 = tpu.memref_squeeze %dma_wait3A_64 : memref<1x128xi32, #tpu.memory_space<vmem>> -> memref<128xi32, #tpu.memory_space<vmem>>
    %dma_wait3A_66 = arith.constant 0 : i32
    %dma_wait3A_67 = arith.constant 0 : i32
    %dma_wait3A_68 = tpu.memref_slice %arg3[%dma_wait3A_66, %dma_wait3A_67] : memref<100000x128xf32, #tpu.memory_space<hbm>> -> memref<100000x128xf32, #tpu.memory_space<hbm>>
    tpu.wait_indirect_dma semaphore(%arg13 : memref<!tpu.dma_semaphore, #tpu.memory_space<semaphore_mem>>) src(%dma_wait3A_68 : memref<100000x128xf32, #tpu.memory_space<hbm>>) dst(%arg8 : memref<128x128xf32, #tpu.memory_space<vmem>>)
    %add3A_69 = arith.constant 256 : i32
    %add3A_70 = arith.addi %mul3A_2, %add3A_69 : i32
    %dma_start3A_71 = arith.constant 0 : i32
    %dma_start3A_72 = tpu.memref_slice %arg4[%add3A_70, %dma_start3A_71] : memref<819200x128xf32, #tpu.memory_space<hbm>> -> memref<128x128xf32, #tpu.memory_space<hbm>>
    %dma_start3A_73 = arith.constant 0 : i32
    %dma_start3A_74 = tpu.memref_slice %arg4[%add3A_70, %dma_start3A_73] : memref<819200x128xf32, #tpu.memory_space<hbm>> -> memref<128x128xf32, #tpu.memory_space<hbm>>
    tpu.enqueue_dma source(%arg8 : memref<128x128xf32, #tpu.memory_space<vmem>>) target(%dma_start3A_74 : memref<128x128xf32, #tpu.memory_space<hbm>>) target_semaphore(%arg18 : memref<!tpu.dma_semaphore, #tpu.memory_space<semaphore_mem>>)
    %add3A_75 = arith.constant 0 : i32
    %add3A_76 = arith.addi %mul3A_2, %add3A_75 : i32
    %dma_wait3A_77 = arith.constant 0 : i32
    %dma_wait3A_78 = tpu.memref_slice %arg4[%add3A_76, %dma_wait3A_77] : memref<819200x128xf32, #tpu.memory_space<hbm>> -> memref<128x128xf32, #tpu.memory_space<hbm>>
    %dma_wait3A_79 = arith.constant 0 : i32
    %dma_wait3A_80 = tpu.memref_slice %arg4[%add3A_76, %dma_wait3A_79] : memref<819200x128xf32, #tpu.memory_space<hbm>> -> memref<128x128xf32, #tpu.memory_space<hbm>>
    tpu.wait_dma2 semaphore(%arg16 : memref<!tpu.dma_semaphore, #tpu.memory_space<semaphore_mem>>) src(%arg6 : memref<128x128xf32, #tpu.memory_space<vmem>>) dst(%dma_wait3A_80 : memref<128x128xf32, #tpu.memory_space<hbm>>)
    %dma_start3A_81 = arith.constant 5 : i32
    %dma_start3A_82 = arith.constant 0 : i32
    %dma_start3A_83 = tpu.memref_slice %arg5[%dma_start3A_81, %dma_start3A_82] : memref<200x128xi32, #tpu.memory_space<vmem>> -> memref<1x128xi32, #tpu.memory_space<vmem>>
    %dma_start3A_84 = tpu.memref_squeeze %dma_start3A_83 : memref<1x128xi32, #tpu.memory_space<vmem>> -> memref<128xi32, #tpu.memory_space<vmem>>
    %dma_start3A_85 = arith.constant 0 : i32
    %dma_start3A_86 = arith.constant 0 : i32
    %dma_start3A_87 = tpu.memref_slice %arg3[%dma_start3A_85, %dma_start3A_86] : memref<100000x128xf32, #tpu.memory_space<hbm>> -> memref<100000x128xf32, #tpu.memory_space<hbm>>
    tpu.enqueue_indirect_dma source(%dma_start3A_87 : memref<100000x128xf32, #tpu.memory_space<hbm>>) target(%arg6 : memref<128x128xf32, #tpu.memory_space<vmem>>) offsets(%dma_start3A_84 : memref<128xi32, #tpu.memory_space<vmem>>) semaphore(%arg11 : memref<!tpu.dma_semaphore, #tpu.memory_space<semaphore_mem>>)
    %dma_wait3A_88 = arith.constant 3 : i32
    %dma_wait3A_89 = arith.constant 0 : i32
    %dma_wait3A_90 = tpu.memref_slice %arg5[%dma_wait3A_88, %dma_wait3A_89] : memref<200x128xi32, #tpu.memory_space<vmem>> -> memref<1x128xi32, #tpu.memory_space<vmem>>
    %dma_wait3A_91 = tpu.memref_squeeze %dma_wait3A_90 : memref<1x128xi32, #tpu.memory_space<vmem>> -> memref<128xi32, #tpu.memory_space<vmem>>
    %dma_wait3A_92 = arith.constant 0 : i32
    %dma_wait3A_93 = arith.constant 0 : i32
    %dma_wait3A_94 = tpu.memref_slice %arg3[%dma_wait3A_92, %dma_wait3A_93] : memref<100000x128xf32, #tpu.memory_space<hbm>> -> memref<100000x128xf32, #tpu.memory_space<hbm>>
    tpu.wait_indirect_dma semaphore(%arg14 : memref<!tpu.dma_semaphore, #tpu.memory_space<semaphore_mem>>) src(%dma_wait3A_94 : memref<100000x128xf32, #tpu.memory_space<hbm>>) dst(%arg9 : memref<128x128xf32, #tpu.memory_space<vmem>>)
    %add3A_95 = arith.constant 384 : i32
    %add3A_96 = arith.addi %mul3A_2, %add3A_95 : i32
    %dma_start3A_97 = arith.constant 0 : i32
    %dma_start3A_98 = tpu.memref_slice %arg4[%add3A_96, %dma_start3A_97] : memref<819200x128xf32, #tpu.memory_space<hbm>> -> memref<128x128xf32, #tpu.memory_space<hbm>>
    %dma_start3A_99 = arith.constant 0 : i32
    %dma_start3A_100 = tpu.memref_slice %arg4[%add3A_96, %dma_start3A_99] : memref<819200x128xf32, #tpu.memory_space<hbm>> -> memref<128x128xf32, #tpu.memory_space<hbm>>
    tpu.enqueue_dma source(%arg9 : memref<128x128xf32, #tpu.memory_space<vmem>>) target(%dma_start3A_100 : memref<128x128xf32, #tpu.memory_space<hbm>>) target_semaphore(%arg19 : memref<!tpu.dma_semaphore, #tpu.memory_space<semaphore_mem>>)
    %add3A_101 = arith.constant 128 : i32
    %add3A_102 = arith.addi %mul3A_2, %add3A_101 : i32
    %dma_wait3A_103 = arith.constant 0 : i32
    %dma_wait3A_104 = tpu.memref_slice %arg4[%add3A_102, %dma_wait3A_103] : memref<819200x128xf32, #tpu.memory_space<hbm>> -> memref<128x128xf32, #tpu.memory_space<hbm>>
    %dma_wait3A_105 = arith.constant 0 : i32
    %dma_wait3A_106 = tpu.memref_slice %arg4[%add3A_102, %dma_wait3A_105] : memref<819200x128xf32, #tpu.memory_space<hbm>> -> memref<128x128xf32, #tpu.memory_space<hbm>>
    tpu.wait_dma2 semaphore(%arg17 : memref<!tpu.dma_semaphore, #tpu.memory_space<semaphore_mem>>) src(%arg7 : memref<128x128xf32, #tpu.memory_space<vmem>>) dst(%dma_wait3A_106 : memref<128x128xf32, #tpu.memory_space<hbm>>)
    %dma_start3A_107 = arith.constant 6 : i32
    %dma_start3A_108 = arith.constant 0 : i32
    %dma_start3A_109 = tpu.memref_slice %arg5[%dma_start3A_107, %dma_start3A_108] : memref<200x128xi32, #tpu.memory_space<vmem>> -> memref<1x128xi32, #tpu.memory_space<vmem>>
    %dma_start3A_110 = tpu.memref_squeeze %dma_start3A_109 : memref<1x128xi32, #tpu.memory_space<vmem>> -> memref<128xi32, #tpu.memory_space<vmem>>
    %dma_start3A_111 = arith.constant 0 : i32
    %dma_start3A_112 = arith.constant 0 : i32
    %dma_start3A_113 = tpu.memref_slice %arg3[%dma_start3A_111, %dma_start3A_112] : memref<100000x128xf32, #tpu.memory_space<hbm>> -> memref<100000x128xf32, #tpu.memory_space<hbm>>
    tpu.enqueue_indirect_dma source(%dma_start3A_113 : memref<100000x128xf32, #tpu.memory_space<hbm>>) target(%arg7 : memref<128x128xf32, #tpu.memory_space<vmem>>) offsets(%dma_start3A_110 : memref<128xi32, #tpu.memory_space<vmem>>) semaphore(%arg12 : memref<!tpu.dma_semaphore, #tpu.memory_space<semaphore_mem>>)
    %dma_wait3A_114 = arith.constant 4 : i32
    %dma_wait3A_115 = arith.constant 0 : i32
    %dma_wait3A_116 = tpu.memref_slice %arg5[%dma_wait3A_114, %dma_wait3A_115] : memref<200x128xi32, #tpu.memory_space<vmem>> -> memref<1x128xi32, #tpu.memory_space<vmem>>
    %dma_wait3A_117 = tpu.memref_squeeze %dma_wait3A_116 : memref<1x128xi32, #tpu.memory_space<vmem>> -> memref<128xi32, #tpu.memory_space<vmem>>
    %dma_wait3A_118 = arith.constant 0 : i32
    %dma_wait3A_119 = arith.constant 0 : i32
    %dma_wait3A_120 = tpu.memref_slice %arg3[%dma_wait3A_118, %dma_wait3A_119] : memref<100000x128xf32, #tpu.memory_space<hbm>> -> memref<100000x128xf32, #tpu.memory_space<hbm>>
    tpu.wait_indirect_dma semaphore(%arg15 : memref<!tpu.dma_semaphore, #tpu.memory_space<semaphore_mem>>) src(%dma_wait3A_120 : memref<100000x128xf32, #tpu.memory_space<hbm>>) dst(%arg10 : memref<128x128xf32, #tpu.memory_space<vmem>>)
    %add3A_121 = arith.constant 512 : i32
    %add3A_122 = arith.addi %mul3A_2, %add3A_121 : i32
    %dma_start3A_123 = arith.constant 0 : i32
    %dma_start3A_124 = tpu.memref_slice %arg4[%add3A_122, %dma_start3A_123] : memref<819200x128xf32, #tpu.memory_space<hbm>> -> memref<128x128xf32, #tpu.memory_space<hbm>>
    %dma_start3A_125 = arith.constant 0 : i32
    %dma_start3A_126 = tpu.memref_slice %arg4[%add3A_122, %dma_start3A_125] : memref<819200x128xf32, #tpu.memory_space<hbm>> -> memref<128x128xf32, #tpu.memory_space<hbm>>
    tpu.enqueue_dma source(%arg10 : memref<128x128xf32, #tpu.memory_space<vmem>>) target(%dma_start3A_126 : memref<128x128xf32, #tpu.memory_space<hbm>>) target_semaphore(%arg20 : memref<!tpu.dma_semaphore, #tpu.memory_space<semaphore_mem>>)
    %add3A_127 = arith.constant 256 : i32
    %add3A_128 = arith.addi %mul3A_2, %add3A_127 : i32
    %dma_wait3A_129 = arith.constant 0 : i32
    %dma_wait3A_130 = tpu.memref_slice %arg4[%add3A_128, %dma_wait3A_129] : memref<819200x128xf32, #tpu.memory_space<hbm>> -> memref<128x128xf32, #tpu.memory_space<hbm>>
    %dma_wait3A_131 = arith.constant 0 : i32
    %dma_wait3A_132 = tpu.memref_slice %arg4[%add3A_128, %dma_wait3A_131] : memref<819200x128xf32, #tpu.memory_space<hbm>> -> memref<128x128xf32, #tpu.memory_space<hbm>>
    tpu.wait_dma2 semaphore(%arg18 : memref<!tpu.dma_semaphore, #tpu.memory_space<semaphore_mem>>) src(%arg8 : memref<128x128xf32, #tpu.memory_space<vmem>>) dst(%dma_wait3A_132 : memref<128x128xf32, #tpu.memory_space<hbm>>)
    %dma_start3A_133 = arith.constant 7 : i32
    %dma_start3A_134 = arith.constant 0 : i32
    %dma_start3A_135 = tpu.memref_slice %arg5[%dma_start3A_133, %dma_start3A_134] : memref<200x128xi32, #tpu.memory_space<vmem>> -> memref<1x128xi32, #tpu.memory_space<vmem>>
    %dma_start3A_136 = tpu.memref_squeeze %dma_start3A_135 : memref<1x128xi32, #tpu.memory_space<vmem>> -> memref<128xi32, #tpu.memory_space<vmem>>
    %dma_start3A_137 = arith.constant 0 : i32
    %dma_start3A_138 = arith.constant 0 : i32
    %dma_start3A_139 = tpu.memref_slice %arg3[%dma_start3A_137, %dma_start3A_138] : memref<100000x128xf32, #tpu.memory_space<hbm>> -> memref<100000x128xf32, #tpu.memory_space<hbm>>
    tpu.enqueue_indirect_dma source(%dma_start3A_139 : memref<100000x128xf32, #tpu.memory_space<hbm>>) target(%arg8 : memref<128x128xf32, #tpu.memory_space<vmem>>) offsets(%dma_start3A_136 : memref<128xi32, #tpu.memory_space<vmem>>) semaphore(%arg13 : memref<!tpu.dma_semaphore, #tpu.memory_space<semaphore_mem>>)
    %scan3A = arith.constant 0 : i32
    %scan3A_140 = arith.constant 1 : i32
    %scan3A_141 = arith.constant 38 : i32
    %scan3A_142 = arith.addi %scan3A_140, %scan3A_141 : i32
    %scan3A_143 = arith.constant 1 : i32
    scf.for %scan3A_266 = %scan3A_140 to %scan3A_142 step %scan3A_143  : i32 {
      %mul3A_267 = arith.constant 5 : i32
      %mul3A_268 = arith.muli %scan3A_266, %mul3A_267 : i32
      %add3A_269 = arith.constant 0 : i32
      %add3A_270 = arith.addi %mul3A_268, %add3A_269 : i32
      %dma_wait3A_271 = arith.constant 0 : i32
      %dma_wait3A_272 = tpu.memref_slice %arg5[%add3A_270, %dma_wait3A_271] : memref<200x128xi32, #tpu.memory_space<vmem>> -> memref<1x128xi32, #tpu.memory_space<vmem>>
      %dma_wait3A_273 = tpu.memref_squeeze %dma_wait3A_272 : memref<1x128xi32, #tpu.memory_space<vmem>> -> memref<128xi32, #tpu.memory_space<vmem>>
      %dma_wait3A_274 = arith.constant 0 : i32
      %dma_wait3A_275 = arith.constant 0 : i32
      %dma_wait3A_276 = tpu.memref_slice %arg3[%dma_wait3A_274, %dma_wait3A_275] : memref<100000x128xf32, #tpu.memory_space<hbm>> -> memref<100000x128xf32, #tpu.memory_space<hbm>>
      tpu.wait_indirect_dma semaphore(%arg11 : memref<!tpu.dma_semaphore, #tpu.memory_space<semaphore_mem>>) src(%dma_wait3A_276 : memref<100000x128xf32, #tpu.memory_space<hbm>>) dst(%arg6 : memref<128x128xf32, #tpu.memory_space<vmem>>)
      %mul3A_277 = arith.constant 128 : i32
      %mul3A_278 = arith.muli %add3A_270, %mul3A_277 : i32
      %add3A_279 = arith.addi %mul3A_2, %mul3A_278 : i32
      %dma_start3A_280 = arith.constant 0 : i32
      %dma_start3A_281 = tpu.memref_slice %arg4[%add3A_279, %dma_start3A_280] : memref<819200x128xf32, #tpu.memory_space<hbm>> -> memref<128x128xf32, #tpu.memory_space<hbm>>
      %dma_start3A_282 = arith.constant 0 : i32
      %dma_start3A_283 = tpu.memref_slice %arg4[%add3A_279, %dma_start3A_282] : memref<819200x128xf32, #tpu.memory_space<hbm>> -> memref<128x128xf32, #tpu.memory_space<hbm>>
      tpu.enqueue_dma source(%arg6 : memref<128x128xf32, #tpu.memory_space<vmem>>) target(%dma_start3A_283 : memref<128x128xf32, #tpu.memory_space<hbm>>) target_semaphore(%arg16 : memref<!tpu.dma_semaphore, #tpu.memory_space<semaphore_mem>>)
      %sub3A = arith.constant 2 : i32
      %sub3A_284 = arith.subi %add3A_270, %sub3A : i32
      %mul3A_285 = arith.constant 128 : i32
      %mul3A_286 = arith.muli %sub3A_284, %mul3A_285 : i32
      %add3A_287 = arith.addi %mul3A_2, %mul3A_286 : i32
      %dma_wait3A_288 = arith.constant 0 : i32
      %dma_wait3A_289 = tpu.memref_slice %arg4[%add3A_287, %dma_wait3A_288] : memref<819200x128xf32, #tpu.memory_space<hbm>> -> memref<128x128xf32, #tpu.memory_space<hbm>>
      %dma_wait3A_290 = arith.constant 0 : i32
      %dma_wait3A_291 = tpu.memref_slice %arg4[%add3A_287, %dma_wait3A_290] : memref<819200x128xf32, #tpu.memory_space<hbm>> -> memref<128x128xf32, #tpu.memory_space<hbm>>
      tpu.wait_dma2 semaphore(%arg19 : memref<!tpu.dma_semaphore, #tpu.memory_space<semaphore_mem>>) src(%arg9 : memref<128x128xf32, #tpu.memory_space<vmem>>) dst(%dma_wait3A_291 : memref<128x128xf32, #tpu.memory_space<hbm>>)
      %add3A_292 = arith.constant 3 : i32
      %add3A_293 = arith.addi %add3A_270, %add3A_292 : i32
      %dma_start3A_294 = arith.constant 0 : i32
      %dma_start3A_295 = tpu.memref_slice %arg5[%add3A_293, %dma_start3A_294] : memref<200x128xi32, #tpu.memory_space<vmem>> -> memref<1x128xi32, #tpu.memory_space<vmem>>
      %dma_start3A_296 = tpu.memref_squeeze %dma_start3A_295 : memref<1x128xi32, #tpu.memory_space<vmem>> -> memref<128xi32, #tpu.memory_space<vmem>>
      %dma_start3A_297 = arith.constant 0 : i32
      %dma_start3A_298 = arith.constant 0 : i32
      %dma_start3A_299 = tpu.memref_slice %arg3[%dma_start3A_297, %dma_start3A_298] : memref<100000x128xf32, #tpu.memory_space<hbm>> -> memref<100000x128xf32, #tpu.memory_space<hbm>>
      tpu.enqueue_indirect_dma source(%dma_start3A_299 : memref<100000x128xf32, #tpu.memory_space<hbm>>) target(%arg9 : memref<128x128xf32, #tpu.memory_space<vmem>>) offsets(%dma_start3A_296 : memref<128xi32, #tpu.memory_space<vmem>>) semaphore(%arg14 : memref<!tpu.dma_semaphore, #tpu.memory_space<semaphore_mem>>)
      %mul3A_300 = arith.constant 5 : i32
      %mul3A_301 = arith.muli %scan3A_266, %mul3A_300 : i32
      %add3A_302 = arith.constant 1 : i32
      %add3A_303 = arith.addi %mul3A_301, %add3A_302 : i32
      %dma_wait3A_304 = arith.constant 0 : i32
      %dma_wait3A_305 = tpu.memref_slice %arg5[%add3A_303, %dma_wait3A_304] : memref<200x128xi32, #tpu.memory_space<vmem>> -> memref<1x128xi32, #tpu.memory_space<vmem>>
      %dma_wait3A_306 = tpu.memref_squeeze %dma_wait3A_305 : memref<1x128xi32, #tpu.memory_space<vmem>> -> memref<128xi32, #tpu.memory_space<vmem>>
      %dma_wait3A_307 = arith.constant 0 : i32
      %dma_wait3A_308 = arith.constant 0 : i32
      %dma_wait3A_309 = tpu.memref_slice %arg3[%dma_wait3A_307, %dma_wait3A_308] : memref<100000x128xf32, #tpu.memory_space<hbm>> -> memref<100000x128xf32, #tpu.memory_space<hbm>>
      tpu.wait_indirect_dma semaphore(%arg12 : memref<!tpu.dma_semaphore, #tpu.memory_space<semaphore_mem>>) src(%dma_wait3A_309 : memref<100000x128xf32, #tpu.memory_space<hbm>>) dst(%arg7 : memref<128x128xf32, #tpu.memory_space<vmem>>)
      %mul3A_310 = arith.constant 128 : i32
      %mul3A_311 = arith.muli %add3A_303, %mul3A_310 : i32
      %add3A_312 = arith.addi %mul3A_2, %mul3A_311 : i32
      %dma_start3A_313 = arith.constant 0 : i32
      %dma_start3A_314 = tpu.memref_slice %arg4[%add3A_312, %dma_start3A_313] : memref<819200x128xf32, #tpu.memory_space<hbm>> -> memref<128x128xf32, #tpu.memory_space<hbm>>
      %dma_start3A_315 = arith.constant 0 : i32
      %dma_start3A_316 = tpu.memref_slice %arg4[%add3A_312, %dma_start3A_315] : memref<819200x128xf32, #tpu.memory_space<hbm>> -> memref<128x128xf32, #tpu.memory_space<hbm>>
      tpu.enqueue_dma source(%arg7 : memref<128x128xf32, #tpu.memory_space<vmem>>) target(%dma_start3A_316 : memref<128x128xf32, #tpu.memory_space<hbm>>) target_semaphore(%arg17 : memref<!tpu.dma_semaphore, #tpu.memory_space<semaphore_mem>>)
      %sub3A_317 = arith.constant 2 : i32
      %sub3A_318 = arith.subi %add3A_303, %sub3A_317 : i32
      %mul3A_319 = arith.constant 128 : i32
      %mul3A_320 = arith.muli %sub3A_318, %mul3A_319 : i32
      %add3A_321 = arith.addi %mul3A_2, %mul3A_320 : i32
      %dma_wait3A_322 = arith.constant 0 : i32
      %dma_wait3A_323 = tpu.memref_slice %arg4[%add3A_321, %dma_wait3A_322] : memref<819200x128xf32, #tpu.memory_space<hbm>> -> memref<128x128xf32, #tpu.memory_space<hbm>>
      %dma_wait3A_324 = arith.constant 0 : i32
      %dma_wait3A_325 = tpu.memref_slice %arg4[%add3A_321, %dma_wait3A_324] : memref<819200x128xf32, #tpu.memory_space<hbm>> -> memref<128x128xf32, #tpu.memory_space<hbm>>
      tpu.wait_dma2 semaphore(%arg20 : memref<!tpu.dma_semaphore, #tpu.memory_space<semaphore_mem>>) src(%arg10 : memref<128x128xf32, #tpu.memory_space<vmem>>) dst(%dma_wait3A_325 : memref<128x128xf32, #tpu.memory_space<hbm>>)
      %add3A_326 = arith.constant 3 : i32
      %add3A_327 = arith.addi %add3A_303, %add3A_326 : i32
      %dma_start3A_328 = arith.constant 0 : i32
      %dma_start3A_329 = tpu.memref_slice %arg5[%add3A_327, %dma_start3A_328] : memref<200x128xi32, #tpu.memory_space<vmem>> -> memref<1x128xi32, #tpu.memory_space<vmem>>
      %dma_start3A_330 = tpu.memref_squeeze %dma_start3A_329 : memref<1x128xi32, #tpu.memory_space<vmem>> -> memref<128xi32, #tpu.memory_space<vmem>>
      %dma_start3A_331 = arith.constant 0 : i32
      %dma_start3A_332 = arith.constant 0 : i32
      %dma_start3A_333 = tpu.memref_slice %arg3[%dma_start3A_331, %dma_start3A_332] : memref<100000x128xf32, #tpu.memory_space<hbm>> -> memref<100000x128xf32, #tpu.memory_space<hbm>>
      tpu.enqueue_indirect_dma source(%dma_start3A_333 : memref<100000x128xf32, #tpu.memory_space<hbm>>) target(%arg10 : memref<128x128xf32, #tpu.memory_space<vmem>>) offsets(%dma_start3A_330 : memref<128xi32, #tpu.memory_space<vmem>>) semaphore(%arg15 : memref<!tpu.dma_semaphore, #tpu.memory_space<semaphore_mem>>)
      %mul3A_334 = arith.constant 5 : i32
      %mul3A_335 = arith.muli %scan3A_266, %mul3A_334 : i32
      %add3A_336 = arith.constant 2 : i32
      %add3A_337 = arith.addi %mul3A_335, %add3A_336 : i32
      %dma_wait3A_338 = arith.constant 0 : i32
      %dma_wait3A_339 = tpu.memref_slice %arg5[%add3A_337, %dma_wait3A_338] : memref<200x128xi32, #tpu.memory_space<vmem>> -> memref<1x128xi32, #tpu.memory_space<vmem>>
      %dma_wait3A_340 = tpu.memref_squeeze %dma_wait3A_339 : memref<1x128xi32, #tpu.memory_space<vmem>> -> memref<128xi32, #tpu.memory_space<vmem>>
      %dma_wait3A_341 = arith.constant 0 : i32
      %dma_wait3A_342 = arith.constant 0 : i32
      %dma_wait3A_343 = tpu.memref_slice %arg3[%dma_wait3A_341, %dma_wait3A_342] : memref<100000x128xf32, #tpu.memory_space<hbm>> -> memref<100000x128xf32, #tpu.memory_space<hbm>>
      tpu.wait_indirect_dma semaphore(%arg13 : memref<!tpu.dma_semaphore, #tpu.memory_space<semaphore_mem>>) src(%dma_wait3A_343 : memref<100000x128xf32, #tpu.memory_space<hbm>>) dst(%arg8 : memref<128x128xf32, #tpu.memory_space<vmem>>)
      %mul3A_344 = arith.constant 128 : i32
      %mul3A_345 = arith.muli %add3A_337, %mul3A_344 : i32
      %add3A_346 = arith.addi %mul3A_2, %mul3A_345 : i32
      %dma_start3A_347 = arith.constant 0 : i32
      %dma_start3A_348 = tpu.memref_slice %arg4[%add3A_346, %dma_start3A_347] : memref<819200x128xf32, #tpu.memory_space<hbm>> -> memref<128x128xf32, #tpu.memory_space<hbm>>
      %dma_start3A_349 = arith.constant 0 : i32
      %dma_start3A_350 = tpu.memref_slice %arg4[%add3A_346, %dma_start3A_349] : memref<819200x128xf32, #tpu.memory_space<hbm>> -> memref<128x128xf32, #tpu.memory_space<hbm>>
      tpu.enqueue_dma source(%arg8 : memref<128x128xf32, #tpu.memory_space<vmem>>) target(%dma_start3A_350 : memref<128x128xf32, #tpu.memory_space<hbm>>) target_semaphore(%arg18 : memref<!tpu.dma_semaphore, #tpu.memory_space<semaphore_mem>>)
      %sub3A_351 = arith.constant 2 : i32
      %sub3A_352 = arith.subi %add3A_337, %sub3A_351 : i32
      %mul3A_353 = arith.constant 128 : i32
      %mul3A_354 = arith.muli %sub3A_352, %mul3A_353 : i32
      %add3A_355 = arith.addi %mul3A_2, %mul3A_354 : i32
      %dma_wait3A_356 = arith.constant 0 : i32
      %dma_wait3A_357 = tpu.memref_slice %arg4[%add3A_355, %dma_wait3A_356] : memref<819200x128xf32, #tpu.memory_space<hbm>> -> memref<128x128xf32, #tpu.memory_space<hbm>>
      %dma_wait3A_358 = arith.constant 0 : i32
      %dma_wait3A_359 = tpu.memref_slice %arg4[%add3A_355, %dma_wait3A_358] : memref<819200x128xf32, #tpu.memory_space<hbm>> -> memref<128x128xf32, #tpu.memory_space<hbm>>
      tpu.wait_dma2 semaphore(%arg16 : memref<!tpu.dma_semaphore, #tpu.memory_space<semaphore_mem>>) src(%arg6 : memref<128x128xf32, #tpu.memory_space<vmem>>) dst(%dma_wait3A_359 : memref<128x128xf32, #tpu.memory_space<hbm>>)
      %add3A_360 = arith.constant 3 : i32
      %add3A_361 = arith.addi %add3A_337, %add3A_360 : i32
      %dma_start3A_362 = arith.constant 0 : i32
      %dma_start3A_363 = tpu.memref_slice %arg5[%add3A_361, %dma_start3A_362] : memref<200x128xi32, #tpu.memory_space<vmem>> -> memref<1x128xi32, #tpu.memory_space<vmem>>
      %dma_start3A_364 = tpu.memref_squeeze %dma_start3A_363 : memref<1x128xi32, #tpu.memory_space<vmem>> -> memref<128xi32, #tpu.memory_space<vmem>>
      %dma_start3A_365 = arith.constant 0 : i32
      %dma_start3A_366 = arith.constant 0 : i32
      %dma_start3A_367 = tpu.memref_slice %arg3[%dma_start3A_365, %dma_start3A_366] : memref<100000x128xf32, #tpu.memory_space<hbm>> -> memref<100000x128xf32, #tpu.memory_space<hbm>>
      tpu.enqueue_indirect_dma source(%dma_start3A_367 : memref<100000x128xf32, #tpu.memory_space<hbm>>) target(%arg6 : memref<128x128xf32, #tpu.memory_space<vmem>>) offsets(%dma_start3A_364 : memref<128xi32, #tpu.memory_space<vmem>>) semaphore(%arg11 : memref<!tpu.dma_semaphore, #tpu.memory_space<semaphore_mem>>)
      %mul3A_368 = arith.constant 5 : i32
      %mul3A_369 = arith.muli %scan3A_266, %mul3A_368 : i32
      %add3A_370 = arith.constant 3 : i32
      %add3A_371 = arith.addi %mul3A_369, %add3A_370 : i32
      %dma_wait3A_372 = arith.constant 0 : i32
      %dma_wait3A_373 = tpu.memref_slice %arg5[%add3A_371, %dma_wait3A_372] : memref<200x128xi32, #tpu.memory_space<vmem>> -> memref<1x128xi32, #tpu.memory_space<vmem>>
      %dma_wait3A_374 = tpu.memref_squeeze %dma_wait3A_373 : memref<1x128xi32, #tpu.memory_space<vmem>> -> memref<128xi32, #tpu.memory_space<vmem>>
      %dma_wait3A_375 = arith.constant 0 : i32
      %dma_wait3A_376 = arith.constant 0 : i32
      %dma_wait3A_377 = tpu.memref_slice %arg3[%dma_wait3A_375, %dma_wait3A_376] : memref<100000x128xf32, #tpu.memory_space<hbm>> -> memref<100000x128xf32, #tpu.memory_space<hbm>>
      tpu.wait_indirect_dma semaphore(%arg14 : memref<!tpu.dma_semaphore, #tpu.memory_space<semaphore_mem>>) src(%dma_wait3A_377 : memref<100000x128xf32, #tpu.memory_space<hbm>>) dst(%arg9 : memref<128x128xf32, #tpu.memory_space<vmem>>)
      %mul3A_378 = arith.constant 128 : i32
      %mul3A_379 = arith.muli %add3A_371, %mul3A_378 : i32
      %add3A_380 = arith.addi %mul3A_2, %mul3A_379 : i32
      %dma_start3A_381 = arith.constant 0 : i32
      %dma_start3A_382 = tpu.memref_slice %arg4[%add3A_380, %dma_start3A_381] : memref<819200x128xf32, #tpu.memory_space<hbm>> -> memref<128x128xf32, #tpu.memory_space<hbm>>
      %dma_start3A_383 = arith.constant 0 : i32
      %dma_start3A_384 = tpu.memref_slice %arg4[%add3A_380, %dma_start3A_383] : memref<819200x128xf32, #tpu.memory_space<hbm>> -> memref<128x128xf32, #tpu.memory_space<hbm>>
      tpu.enqueue_dma source(%arg9 : memref<128x128xf32, #tpu.memory_space<vmem>>) target(%dma_start3A_384 : memref<128x128xf32, #tpu.memory_space<hbm>>) target_semaphore(%arg19 : memref<!tpu.dma_semaphore, #tpu.memory_space<semaphore_mem>>)
      %sub3A_385 = arith.constant 2 : i32
      %sub3A_386 = arith.subi %add3A_371, %sub3A_385 : i32
      %mul3A_387 = arith.constant 128 : i32
      %mul3A_388 = arith.muli %sub3A_386, %mul3A_387 : i32
      %add3A_389 = arith.addi %mul3A_2, %mul3A_388 : i32
      %dma_wait3A_390 = arith.constant 0 : i32
      %dma_wait3A_391 = tpu.memref_slice %arg4[%add3A_389, %dma_wait3A_390] : memref<819200x128xf32, #tpu.memory_space<hbm>> -> memref<128x128xf32, #tpu.memory_space<hbm>>
      %dma_wait3A_392 = arith.constant 0 : i32
      %dma_wait3A_393 = tpu.memref_slice %arg4[%add3A_389, %dma_wait3A_392] : memref<819200x128xf32, #tpu.memory_space<hbm>> -> memref<128x128xf32, #tpu.memory_space<hbm>>
      tpu.wait_dma2 semaphore(%arg17 : memref<!tpu.dma_semaphore, #tpu.memory_space<semaphore_mem>>) src(%arg7 : memref<128x128xf32, #tpu.memory_space<vmem>>) dst(%dma_wait3A_393 : memref<128x128xf32, #tpu.memory_space<hbm>>)
      %add3A_394 = arith.constant 3 : i32
      %add3A_395 = arith.addi %add3A_371, %add3A_394 : i32
      %dma_start3A_396 = arith.constant 0 : i32
      %dma_start3A_397 = tpu.memref_slice %arg5[%add3A_395, %dma_start3A_396] : memref<200x128xi32, #tpu.memory_space<vmem>> -> memref<1x128xi32, #tpu.memory_space<vmem>>
      %dma_start3A_398 = tpu.memref_squeeze %dma_start3A_397 : memref<1x128xi32, #tpu.memory_space<vmem>> -> memref<128xi32, #tpu.memory_space<vmem>>
      %dma_start3A_399 = arith.constant 0 : i32
      %dma_start3A_400 = arith.constant 0 : i32
      %dma_start3A_401 = tpu.memref_slice %arg3[%dma_start3A_399, %dma_start3A_400] : memref<100000x128xf32, #tpu.memory_space<hbm>> -> memref<100000x128xf32, #tpu.memory_space<hbm>>
      tpu.enqueue_indirect_dma source(%dma_start3A_401 : memref<100000x128xf32, #tpu.memory_space<hbm>>) target(%arg7 : memref<128x128xf32, #tpu.memory_space<vmem>>) offsets(%dma_start3A_398 : memref<128xi32, #tpu.memory_space<vmem>>) semaphore(%arg12 : memref<!tpu.dma_semaphore, #tpu.memory_space<semaphore_mem>>)
      %mul3A_402 = arith.constant 5 : i32
      %mul3A_403 = arith.muli %scan3A_266, %mul3A_402 : i32
      %add3A_404 = arith.constant 4 : i32
      %add3A_405 = arith.addi %mul3A_403, %add3A_404 : i32
      %dma_wait3A_406 = arith.constant 0 : i32
      %dma_wait3A_407 = tpu.memref_slice %arg5[%add3A_405, %dma_wait3A_406] : memref<200x128xi32, #tpu.memory_space<vmem>> -> memref<1x128xi32, #tpu.memory_space<vmem>>
      %dma_wait3A_408 = tpu.memref_squeeze %dma_wait3A_407 : memref<1x128xi32, #tpu.memory_space<vmem>> -> memref<128xi32, #tpu.memory_space<vmem>>
      %dma_wait3A_409 = arith.constant 0 : i32
      %dma_wait3A_410 = arith.constant 0 : i32
      %dma_wait3A_411 = tpu.memref_slice %arg3[%dma_wait3A_409, %dma_wait3A_410] : memref<100000x128xf32, #tpu.memory_space<hbm>> -> memref<100000x128xf32, #tpu.memory_space<hbm>>
      tpu.wait_indirect_dma semaphore(%arg15 : memref<!tpu.dma_semaphore, #tpu.memory_space<semaphore_mem>>) src(%dma_wait3A_411 : memref<100000x128xf32, #tpu.memory_space<hbm>>) dst(%arg10 : memref<128x128xf32, #tpu.memory_space<vmem>>)
      %mul3A_412 = arith.constant 128 : i32
      %mul3A_413 = arith.muli %add3A_405, %mul3A_412 : i32
      %add3A_414 = arith.addi %mul3A_2, %mul3A_413 : i32
      %dma_start3A_415 = arith.constant 0 : i32
      %dma_start3A_416 = tpu.memref_slice %arg4[%add3A_414, %dma_start3A_415] : memref<819200x128xf32, #tpu.memory_space<hbm>> -> memref<128x128xf32, #tpu.memory_space<hbm>>
      %dma_start3A_417 = arith.constant 0 : i32
      %dma_start3A_418 = tpu.memref_slice %arg4[%add3A_414, %dma_start3A_417] : memref<819200x128xf32, #tpu.memory_space<hbm>> -> memref<128x128xf32, #tpu.memory_space<hbm>>
      tpu.enqueue_dma source(%arg10 : memref<128x128xf32, #tpu.memory_space<vmem>>) target(%dma_start3A_418 : memref<128x128xf32, #tpu.memory_space<hbm>>) target_semaphore(%arg20 : memref<!tpu.dma_semaphore, #tpu.memory_space<semaphore_mem>>)
      %sub3A_419 = arith.constant 2 : i32
      %sub3A_420 = arith.subi %add3A_405, %sub3A_419 : i32
      %mul3A_421 = arith.constant 128 : i32
      %mul3A_422 = arith.muli %sub3A_420, %mul3A_421 : i32
      %add3A_423 = arith.addi %mul3A_2, %mul3A_422 : i32
      %dma_wait3A_424 = arith.constant 0 : i32
      %dma_wait3A_425 = tpu.memref_slice %arg4[%add3A_423, %dma_wait3A_424] : memref<819200x128xf32, #tpu.memory_space<hbm>> -> memref<128x128xf32, #tpu.memory_space<hbm>>
      %dma_wait3A_426 = arith.constant 0 : i32
      %dma_wait3A_427 = tpu.memref_slice %arg4[%add3A_423, %dma_wait3A_426] : memref<819200x128xf32, #tpu.memory_space<hbm>> -> memref<128x128xf32, #tpu.memory_space<hbm>>
      tpu.wait_dma2 semaphore(%arg18 : memref<!tpu.dma_semaphore, #tpu.memory_space<semaphore_mem>>) src(%arg8 : memref<128x128xf32, #tpu.memory_space<vmem>>) dst(%dma_wait3A_427 : memref<128x128xf32, #tpu.memory_space<hbm>>)
      %add3A_428 = arith.constant 3 : i32
      %add3A_429 = arith.addi %add3A_405, %add3A_428 : i32
      %dma_start3A_430 = arith.constant 0 : i32
      %dma_start3A_431 = tpu.memref_slice %arg5[%add3A_429, %dma_start3A_430] : memref<200x128xi32, #tpu.memory_space<vmem>> -> memref<1x128xi32, #tpu.memory_space<vmem>>
      %dma_start3A_432 = tpu.memref_squeeze %dma_start3A_431 : memref<1x128xi32, #tpu.memory_space<vmem>> -> memref<128xi32, #tpu.memory_space<vmem>>
      %dma_start3A_433 = arith.constant 0 : i32
      %dma_start3A_434 = arith.constant 0 : i32
      %dma_start3A_435 = tpu.memref_slice %arg3[%dma_start3A_433, %dma_start3A_434] : memref<100000x128xf32, #tpu.memory_space<hbm>> -> memref<100000x128xf32, #tpu.memory_space<hbm>>
      tpu.enqueue_indirect_dma source(%dma_start3A_435 : memref<100000x128xf32, #tpu.memory_space<hbm>>) target(%arg8 : memref<128x128xf32, #tpu.memory_space<vmem>>) offsets(%dma_start3A_432 : memref<128xi32, #tpu.memory_space<vmem>>) semaphore(%arg13 : memref<!tpu.dma_semaphore, #tpu.memory_space<semaphore_mem>>)
    }
    %scan3A_144 = arith.constant 38 : i32
    %dma_wait3A_145 = arith.constant 195 : i32
    %dma_wait3A_146 = arith.constant 0 : i32
    %dma_wait3A_147 = tpu.memref_slice %arg5[%dma_wait3A_145, %dma_wait3A_146] : memref<200x128xi32, #tpu.memory_space<vmem>> -> memref<1x128xi32, #tpu.memory_space<vmem>>
    %dma_wait3A_148 = tpu.memref_squeeze %dma_wait3A_147 : memref<1x128xi32, #tpu.memory_space<vmem>> -> memref<128xi32, #tpu.memory_space<vmem>>
    %dma_wait3A_149 = arith.constant 0 : i32
    %dma_wait3A_150 = arith.constant 0 : i32
    %dma_wait3A_151 = tpu.memref_slice %arg3[%dma_wait3A_149, %dma_wait3A_150] : memref<100000x128xf32, #tpu.memory_space<hbm>> -> memref<100000x128xf32, #tpu.memory_space<hbm>>
    tpu.wait_indirect_dma semaphore(%arg11 : memref<!tpu.dma_semaphore, #tpu.memory_space<semaphore_mem>>) src(%dma_wait3A_151 : memref<100000x128xf32, #tpu.memory_space<hbm>>) dst(%arg6 : memref<128x128xf32, #tpu.memory_space<vmem>>)
    %add3A_152 = arith.constant 24960 : i32
    %add3A_153 = arith.addi %mul3A_2, %add3A_152 : i32
    %dma_start3A_154 = arith.constant 0 : i32
    %dma_start3A_155 = tpu.memref_slice %arg4[%add3A_153, %dma_start3A_154] : memref<819200x128xf32, #tpu.memory_space<hbm>> -> memref<128x128xf32, #tpu.memory_space<hbm>>
    %dma_start3A_156 = arith.constant 0 : i32
    %dma_start3A_157 = tpu.memref_slice %arg4[%add3A_153, %dma_start3A_156] : memref<819200x128xf32, #tpu.memory_space<hbm>> -> memref<128x128xf32, #tpu.memory_space<hbm>>
    tpu.enqueue_dma source(%arg6 : memref<128x128xf32, #tpu.memory_space<vmem>>) target(%dma_start3A_157 : memref<128x128xf32, #tpu.memory_space<hbm>>) target_semaphore(%arg16 : memref<!tpu.dma_semaphore, #tpu.memory_space<semaphore_mem>>)
    %add3A_158 = arith.constant 24704 : i32
    %add3A_159 = arith.addi %mul3A_2, %add3A_158 : i32
    %dma_wait3A_160 = arith.constant 0 : i32
    %dma_wait3A_161 = tpu.memref_slice %arg4[%add3A_159, %dma_wait3A_160] : memref<819200x128xf32, #tpu.memory_space<hbm>> -> memref<128x128xf32, #tpu.memory_space<hbm>>
    %dma_wait3A_162 = arith.constant 0 : i32
    %dma_wait3A_163 = tpu.memref_slice %arg4[%add3A_159, %dma_wait3A_162] : memref<819200x128xf32, #tpu.memory_space<hbm>> -> memref<128x128xf32, #tpu.memory_space<hbm>>
    tpu.wait_dma2 semaphore(%arg19 : memref<!tpu.dma_semaphore, #tpu.memory_space<semaphore_mem>>) src(%arg9 : memref<128x128xf32, #tpu.memory_space<vmem>>) dst(%dma_wait3A_163 : memref<128x128xf32, #tpu.memory_space<hbm>>)
    %dma_start3A_164 = arith.constant 198 : i32
    %dma_start3A_165 = arith.constant 0 : i32
    %dma_start3A_166 = tpu.memref_slice %arg5[%dma_start3A_164, %dma_start3A_165] : memref<200x128xi32, #tpu.memory_space<vmem>> -> memref<1x128xi32, #tpu.memory_space<vmem>>
    %dma_start3A_167 = tpu.memref_squeeze %dma_start3A_166 : memref<1x128xi32, #tpu.memory_space<vmem>> -> memref<128xi32, #tpu.memory_space<vmem>>
    %dma_start3A_168 = arith.constant 0 : i32
    %dma_start3A_169 = arith.constant 0 : i32
    %dma_start3A_170 = tpu.memref_slice %arg3[%dma_start3A_168, %dma_start3A_169] : memref<100000x128xf32, #tpu.memory_space<hbm>> -> memref<100000x128xf32, #tpu.memory_space<hbm>>
    tpu.enqueue_indirect_dma source(%dma_start3A_170 : memref<100000x128xf32, #tpu.memory_space<hbm>>) target(%arg9 : memref<128x128xf32, #tpu.memory_space<vmem>>) offsets(%dma_start3A_167 : memref<128xi32, #tpu.memory_space<vmem>>) semaphore(%arg14 : memref<!tpu.dma_semaphore, #tpu.memory_space<semaphore_mem>>)
    %dma_wait3A_171 = arith.constant 196 : i32
    %dma_wait3A_172 = arith.constant 0 : i32
    %dma_wait3A_173 = tpu.memref_slice %arg5[%dma_wait3A_171, %dma_wait3A_172] : memref<200x128xi32, #tpu.memory_space<vmem>> -> memref<1x128xi32, #tpu.memory_space<vmem>>
    %dma_wait3A_174 = tpu.memref_squeeze %dma_wait3A_173 : memref<1x128xi32, #tpu.memory_space<vmem>> -> memref<128xi32, #tpu.memory_space<vmem>>
    %dma_wait3A_175 = arith.constant 0 : i32
    %dma_wait3A_176 = arith.constant 0 : i32
    %dma_wait3A_177 = tpu.memref_slice %arg3[%dma_wait3A_175, %dma_wait3A_176] : memref<100000x128xf32, #tpu.memory_space<hbm>> -> memref<100000x128xf32, #tpu.memory_space<hbm>>
    tpu.wait_indirect_dma semaphore(%arg12 : memref<!tpu.dma_semaphore, #tpu.memory_space<semaphore_mem>>) src(%dma_wait3A_177 : memref<100000x128xf32, #tpu.memory_space<hbm>>) dst(%arg7 : memref<128x128xf32, #tpu.memory_space<vmem>>)
    %add3A_178 = arith.constant 25088 : i32
    %add3A_179 = arith.addi %mul3A_2, %add3A_178 : i32
    %dma_start3A_180 = arith.constant 0 : i32
    %dma_start3A_181 = tpu.memref_slice %arg4[%add3A_179, %dma_start3A_180] : memref<819200x128xf32, #tpu.memory_space<hbm>> -> memref<128x128xf32, #tpu.memory_space<hbm>>
    %dma_start3A_182 = arith.constant 0 : i32
    %dma_start3A_183 = tpu.memref_slice %arg4[%add3A_179, %dma_start3A_182] : memref<819200x128xf32, #tpu.memory_space<hbm>> -> memref<128x128xf32, #tpu.memory_space<hbm>>
    tpu.enqueue_dma source(%arg7 : memref<128x128xf32, #tpu.memory_space<vmem>>) target(%dma_start3A_183 : memref<128x128xf32, #tpu.memory_space<hbm>>) target_semaphore(%arg17 : memref<!tpu.dma_semaphore, #tpu.memory_space<semaphore_mem>>)
    %add3A_184 = arith.constant 24832 : i32
    %add3A_185 = arith.addi %mul3A_2, %add3A_184 : i32
    %dma_wait3A_186 = arith.constant 0 : i32
    %dma_wait3A_187 = tpu.memref_slice %arg4[%add3A_185, %dma_wait3A_186] : memref<819200x128xf32, #tpu.memory_space<hbm>> -> memref<128x128xf32, #tpu.memory_space<hbm>>
    %dma_wait3A_188 = arith.constant 0 : i32
    %dma_wait3A_189 = tpu.memref_slice %arg4[%add3A_185, %dma_wait3A_188] : memref<819200x128xf32, #tpu.memory_space<hbm>> -> memref<128x128xf32, #tpu.memory_space<hbm>>
    tpu.wait_dma2 semaphore(%arg20 : memref<!tpu.dma_semaphore, #tpu.memory_space<semaphore_mem>>) src(%arg10 : memref<128x128xf32, #tpu.memory_space<vmem>>) dst(%dma_wait3A_189 : memref<128x128xf32, #tpu.memory_space<hbm>>)
    %dma_start3A_190 = arith.constant 199 : i32
    %dma_start3A_191 = arith.constant 0 : i32
    %dma_start3A_192 = tpu.memref_slice %arg5[%dma_start3A_190, %dma_start3A_191] : memref<200x128xi32, #tpu.memory_space<vmem>> -> memref<1x128xi32, #tpu.memory_space<vmem>>
    %dma_start3A_193 = tpu.memref_squeeze %dma_start3A_192 : memref<1x128xi32, #tpu.memory_space<vmem>> -> memref<128xi32, #tpu.memory_space<vmem>>
    %dma_start3A_194 = arith.constant 0 : i32
    %dma_start3A_195 = arith.constant 0 : i32
    %dma_start3A_196 = tpu.memref_slice %arg3[%dma_start3A_194, %dma_start3A_195] : memref<100000x128xf32, #tpu.memory_space<hbm>> -> memref<100000x128xf32, #tpu.memory_space<hbm>>
    tpu.enqueue_indirect_dma source(%dma_start3A_196 : memref<100000x128xf32, #tpu.memory_space<hbm>>) target(%arg10 : memref<128x128xf32, #tpu.memory_space<vmem>>) offsets(%dma_start3A_193 : memref<128xi32, #tpu.memory_space<vmem>>) semaphore(%arg15 : memref<!tpu.dma_semaphore, #tpu.memory_space<semaphore_mem>>)
    %dma_wait3A_197 = arith.constant 197 : i32
    %dma_wait3A_198 = arith.constant 0 : i32
    %dma_wait3A_199 = tpu.memref_slice %arg5[%dma_wait3A_197, %dma_wait3A_198] : memref<200x128xi32, #tpu.memory_space<vmem>> -> memref<1x128xi32, #tpu.memory_space<vmem>>
    %dma_wait3A_200 = tpu.memref_squeeze %dma_wait3A_199 : memref<1x128xi32, #tpu.memory_space<vmem>> -> memref<128xi32, #tpu.memory_space<vmem>>
    %dma_wait3A_201 = arith.constant 0 : i32
    %dma_wait3A_202 = arith.constant 0 : i32
    %dma_wait3A_203 = tpu.memref_slice %arg3[%dma_wait3A_201, %dma_wait3A_202] : memref<100000x128xf32, #tpu.memory_space<hbm>> -> memref<100000x128xf32, #tpu.memory_space<hbm>>
    tpu.wait_indirect_dma semaphore(%arg13 : memref<!tpu.dma_semaphore, #tpu.memory_space<semaphore_mem>>) src(%dma_wait3A_203 : memref<100000x128xf32, #tpu.memory_space<hbm>>) dst(%arg8 : memref<128x128xf32, #tpu.memory_space<vmem>>)
    %add3A_204 = arith.constant 25216 : i32
    %add3A_205 = arith.addi %mul3A_2, %add3A_204 : i32
    %dma_start3A_206 = arith.constant 0 : i32
    %dma_start3A_207 = tpu.memref_slice %arg4[%add3A_205, %dma_start3A_206] : memref<819200x128xf32, #tpu.memory_space<hbm>> -> memref<128x128xf32, #tpu.memory_space<hbm>>
    %dma_start3A_208 = arith.constant 0 : i32
    %dma_start3A_209 = tpu.memref_slice %arg4[%add3A_205, %dma_start3A_208] : memref<819200x128xf32, #tpu.memory_space<hbm>> -> memref<128x128xf32, #tpu.memory_space<hbm>>
    tpu.enqueue_dma source(%arg8 : memref<128x128xf32, #tpu.memory_space<vmem>>) target(%dma_start3A_209 : memref<128x128xf32, #tpu.memory_space<hbm>>) target_semaphore(%arg18 : memref<!tpu.dma_semaphore, #tpu.memory_space<semaphore_mem>>)
    %add3A_210 = arith.constant 24960 : i32
    %add3A_211 = arith.addi %mul3A_2, %add3A_210 : i32
    %dma_wait3A_212 = arith.constant 0 : i32
    %dma_wait3A_213 = tpu.memref_slice %arg4[%add3A_211, %dma_wait3A_212] : memref<819200x128xf32, #tpu.memory_space<hbm>> -> memref<128x128xf32, #tpu.memory_space<hbm>>
    %dma_wait3A_214 = arith.constant 0 : i32
    %dma_wait3A_215 = tpu.memref_slice %arg4[%add3A_211, %dma_wait3A_214] : memref<819200x128xf32, #tpu.memory_space<hbm>> -> memref<128x128xf32, #tpu.memory_space<hbm>>
    tpu.wait_dma2 semaphore(%arg16 : memref<!tpu.dma_semaphore, #tpu.memory_space<semaphore_mem>>) src(%arg6 : memref<128x128xf32, #tpu.memory_space<vmem>>) dst(%dma_wait3A_215 : memref<128x128xf32, #tpu.memory_space<hbm>>)
    %dma_wait3A_216 = arith.constant 198 : i32
    %dma_wait3A_217 = arith.constant 0 : i32
    %dma_wait3A_218 = tpu.memref_slice %arg5[%dma_wait3A_216, %dma_wait3A_217] : memref<200x128xi32, #tpu.memory_space<vmem>> -> memref<1x128xi32, #tpu.memory_space<vmem>>
    %dma_wait3A_219 = tpu.memref_squeeze %dma_wait3A_218 : memref<1x128xi32, #tpu.memory_space<vmem>> -> memref<128xi32, #tpu.memory_space<vmem>>
    %dma_wait3A_220 = arith.constant 0 : i32
    %dma_wait3A_221 = arith.constant 0 : i32
    %dma_wait3A_222 = tpu.memref_slice %arg3[%dma_wait3A_220, %dma_wait3A_221] : memref<100000x128xf32, #tpu.memory_space<hbm>> -> memref<100000x128xf32, #tpu.memory_space<hbm>>
    tpu.wait_indirect_dma semaphore(%arg14 : memref<!tpu.dma_semaphore, #tpu.memory_space<semaphore_mem>>) src(%dma_wait3A_222 : memref<100000x128xf32, #tpu.memory_space<hbm>>) dst(%arg9 : memref<128x128xf32, #tpu.memory_space<vmem>>)
    %add3A_223 = arith.constant 25344 : i32
    %add3A_224 = arith.addi %mul3A_2, %add3A_223 : i32
    %dma_start3A_225 = arith.constant 0 : i32
    %dma_start3A_226 = tpu.memref_slice %arg4[%add3A_224, %dma_start3A_225] : memref<819200x128xf32, #tpu.memory_space<hbm>> -> memref<128x128xf32, #tpu.memory_space<hbm>>
    %dma_start3A_227 = arith.constant 0 : i32
    %dma_start3A_228 = tpu.memref_slice %arg4[%add3A_224, %dma_start3A_227] : memref<819200x128xf32, #tpu.memory_space<hbm>> -> memref<128x128xf32, #tpu.memory_space<hbm>>
    tpu.enqueue_dma source(%arg9 : memref<128x128xf32, #tpu.memory_space<vmem>>) target(%dma_start3A_228 : memref<128x128xf32, #tpu.memory_space<hbm>>) target_semaphore(%arg19 : memref<!tpu.dma_semaphore, #tpu.memory_space<semaphore_mem>>)
    %add3A_229 = arith.constant 25088 : i32
    %add3A_230 = arith.addi %mul3A_2, %add3A_229 : i32
    %dma_wait3A_231 = arith.constant 0 : i32
    %dma_wait3A_232 = tpu.memref_slice %arg4[%add3A_230, %dma_wait3A_231] : memref<819200x128xf32, #tpu.memory_space<hbm>> -> memref<128x128xf32, #tpu.memory_space<hbm>>
    %dma_wait3A_233 = arith.constant 0 : i32
    %dma_wait3A_234 = tpu.memref_slice %arg4[%add3A_230, %dma_wait3A_233] : memref<819200x128xf32, #tpu.memory_space<hbm>> -> memref<128x128xf32, #tpu.memory_space<hbm>>
    tpu.wait_dma2 semaphore(%arg17 : memref<!tpu.dma_semaphore, #tpu.memory_space<semaphore_mem>>) src(%arg7 : memref<128x128xf32, #tpu.memory_space<vmem>>) dst(%dma_wait3A_234 : memref<128x128xf32, #tpu.memory_space<hbm>>)
    %dma_wait3A_235 = arith.constant 199 : i32
    %dma_wait3A_236 = arith.constant 0 : i32
    %dma_wait3A_237 = tpu.memref_slice %arg5[%dma_wait3A_235, %dma_wait3A_236] : memref<200x128xi32, #tpu.memory_space<vmem>> -> memref<1x128xi32, #tpu.memory_space<vmem>>
    %dma_wait3A_238 = tpu.memref_squeeze %dma_wait3A_237 : memref<1x128xi32, #tpu.memory_space<vmem>> -> memref<128xi32, #tpu.memory_space<vmem>>
    %dma_wait3A_239 = arith.constant 0 : i32
    %dma_wait3A_240 = arith.constant 0 : i32
    %dma_wait3A_241 = tpu.memref_slice %arg3[%dma_wait3A_239, %dma_wait3A_240] : memref<100000x128xf32, #tpu.memory_space<hbm>> -> memref<100000x128xf32, #tpu.memory_space<hbm>>
    tpu.wait_indirect_dma semaphore(%arg15 : memref<!tpu.dma_semaphore, #tpu.memory_space<semaphore_mem>>) src(%dma_wait3A_241 : memref<100000x128xf32, #tpu.memory_space<hbm>>) dst(%arg10 : memref<128x128xf32, #tpu.memory_space<vmem>>)
    %add3A_242 = arith.constant 25472 : i32
    %add3A_243 = arith.addi %mul3A_2, %add3A_242 : i32
    %dma_start3A_244 = arith.constant 0 : i32
    %dma_start3A_245 = tpu.memref_slice %arg4[%add3A_243, %dma_start3A_244] : memref<819200x128xf32, #tpu.memory_space<hbm>> -> memref<128x128xf32, #tpu.memory_space<hbm>>
    %dma_start3A_246 = arith.constant 0 : i32
    %dma_start3A_247 = tpu.memref_slice %arg4[%add3A_243, %dma_start3A_246] : memref<819200x128xf32, #tpu.memory_space<hbm>> -> memref<128x128xf32, #tpu.memory_space<hbm>>
    tpu.enqueue_dma source(%arg10 : memref<128x128xf32, #tpu.memory_space<vmem>>) target(%dma_start3A_247 : memref<128x128xf32, #tpu.memory_space<hbm>>) target_semaphore(%arg20 : memref<!tpu.dma_semaphore, #tpu.memory_space<semaphore_mem>>)
    %add3A_248 = arith.constant 25216 : i32
    %add3A_249 = arith.addi %mul3A_2, %add3A_248 : i32
    %dma_wait3A_250 = arith.constant 0 : i32
    %dma_wait3A_251 = tpu.memref_slice %arg4[%add3A_249, %dma_wait3A_250] : memref<819200x128xf32, #tpu.memory_space<hbm>> -> memref<128x128xf32, #tpu.memory_space<hbm>>
    %dma_wait3A_252 = arith.constant 0 : i32
    %dma_wait3A_253 = tpu.memref_slice %arg4[%add3A_249, %dma_wait3A_252] : memref<819200x128xf32, #tpu.memory_space<hbm>> -> memref<128x128xf32, #tpu.memory_space<hbm>>
    tpu.wait_dma2 semaphore(%arg18 : memref<!tpu.dma_semaphore, #tpu.memory_space<semaphore_mem>>) src(%arg8 : memref<128x128xf32, #tpu.memory_space<vmem>>) dst(%dma_wait3A_253 : memref<128x128xf32, #tpu.memory_space<hbm>>)
    %add3A_254 = arith.constant 25344 : i32
    %add3A_255 = arith.addi %mul3A_2, %add3A_254 : i32
    %dma_wait3A_256 = arith.constant 0 : i32
    %dma_wait3A_257 = tpu.memref_slice %arg4[%add3A_255, %dma_wait3A_256] : memref<819200x128xf32, #tpu.memory_space<hbm>> -> memref<128x128xf32, #tpu.memory_space<hbm>>
    %dma_wait3A_258 = arith.constant 0 : i32
    %dma_wait3A_259 = tpu.memref_slice %arg4[%add3A_255, %dma_wait3A_258] : memref<819200x128xf32, #tpu.memory_space<hbm>> -> memref<128x128xf32, #tpu.memory_space<hbm>>
    tpu.wait_dma2 semaphore(%arg19 : memref<!tpu.dma_semaphore, #tpu.memory_space<semaphore_mem>>) src(%arg9 : memref<128x128xf32, #tpu.memory_space<vmem>>) dst(%dma_wait3A_259 : memref<128x128xf32, #tpu.memory_space<hbm>>)
    %add3A_260 = arith.constant 25472 : i32
    %add3A_261 = arith.addi %mul3A_2, %add3A_260 : i32
    %dma_wait3A_262 = arith.constant 0 : i32
    %dma_wait3A_263 = tpu.memref_slice %arg4[%add3A_261, %dma_wait3A_262] : memref<819200x128xf32, #tpu.memory_space<hbm>> -> memref<128x128xf32, #tpu.memory_space<hbm>>
    %dma_wait3A_264 = arith.constant 0 : i32
    %dma_wait3A_265 = tpu.memref_slice %arg4[%add3A_261, %dma_wait3A_264] : memref<819200x128xf32, #tpu.memory_space<hbm>> -> memref<128x128xf32, #tpu.memory_space<hbm>>
    tpu.wait_dma2 semaphore(%arg20 : memref<!tpu.dma_semaphore, #tpu.memory_space<semaphore_mem>>) src(%arg10 : memref<128x128xf32, #tpu.memory_space<vmem>>) dst(%dma_wait3A_265 : memref<128x128xf32, #tpu.memory_space<hbm>>)
    return
  }
}

</mosaic_0001>

<sc_bundles>
// kernel: _embed.3.cloned.1.call-start
scs
__scs_entry_jumppad:
0x0: {  	(pc) =	sbr.rel $0x88, $3  }
0x1: {  	(tag) =	ssettag $0x0;
	lr =	simm.s32 $0x1  }
0x2: {  	[smem:$0x3F9F] =	sst lr;
	_ =	strace $0xD0000000  }
0x3: {  	_ = 	snop  }
0x4: {  	_ = 	snop  }
0x5: {  	_ = 	snop  }
0x6: {  	_ = 	snop  }
0x7: {  	_ = 	snop  }
__scs_overlays_trampoline_lowered:
0x8: {  	[smem:$0x3FAE] =	sst s0  }
0x9: {  	[smem:$0x3FAF] =	sst s1  }
0xa: {  	[smem:$0x3FB0] =	sst s2  }
0xb: {  	[smem:$0x3FB1] =	sst s3  }
0xc: {  	[smem:$0x3FB2] =	sst s4  }
0xd: {  	[smem:$0x3FB3] =	sst s5  }
0xe: {  	[smem:$0x3FB4] =	sst s6  }
0xf: {  	[smem:$0x3FB5] =	sst s7  }
0x10: {  	[smem:$0x3FB6] =	sst s8  }
0x11: {  	[smem:$0x3FB7] =	sst s9;
	s0 =	simm.s32 @!p0 $0x0  }
0x12: {  	s1 =	sld [smem:$0x3F9D];
	s0 =	simm.s32 @p0 $0x1  }
0x13: {  	[smem:$0x3FB8] =	sst s0;
	s0 =	simm.s32 @!p1 $0x0  }
0x14: {  	s2 =	sld [smem:$0x3F9C];
	s0 =	simm.s32 @p1 $0x1  }
0x15: {  	[smem:$0x3FB9] =	sst s0;
	s0 =	simm.s32 @!p2 $0x0  }
0x16: {  	s3 =	sld [smem:$0x3FDB];
	s0 =	simm.s32 @p2 $0x1  }
0x17: {  	s4 =	simm.s32 $0x1BF5;
	[smem:$0x3FBB] =	sst s0  }
0x18: {  	s0 =	sld [smem:$0x3F9E];
	_ =	swait.ge [sflag:s4], $0x0  }
0x19: {  	s7 =	sld [smem:$0x3F9F]  }
0x1a: {  	s8 =	sadd.s32 $0xFFFFE003, lr  }
0x1b: {  	s9 =	sadd.s32 $0xFFFFFEF7, lr;
	s5 =	simm.s32 $0xFFFFFFFF;
	p2 =	slt.u32 s8, $0xFFFFF086  }
0x1c: {  	p1 =	slt.u32 s9, $0xF7A;
	s5 =	simm.s32 @!p2 $0x0  }
0x1d: {  	s5 =	simm.s32 @p1 $0x1;
	p0 =	seq.s32 s7, s2  }
0x1e: {  	s7 =	smul.u32 @!p0 $0xF7A, s2;
	p2 =	seq.s32 @!p0 s5, $0x0  }
0x1f: {  	s9 =	smul.u32 $0xF7A, s1;
	s8 =	simm.s32 @!p0 $0x1BF5;
	p2 =	por !p2, p0  }
0x20: {  	[sflag:s8] =	ssyncset.s32 @!p0 $0xFFFFF086;
	s6 =	sadd.s32 @!p0 s3, s7;
	s7 =	simm.s32 @!p0 $0x108  }
0x21: {  	s3 =	sadd.s32 s3, s9;
	s6 =	sadd.s32 @!p0 $0x88, s6;
	s7 =	simm.s32 @p2 $0x1082  }
0x22: {  	[simem:s7], [sflag:s8] =	dma.local @!p0 [hbm:s6], $0xF7A  }
0x23: {  	s9 =	sor.u32 $0xD0000000, s2;
	s6 =	simm.s32 $0x108;
	_ =	swait.ge @!p0 [sflag:s8], $0x0  }
0x24: {  	s3 =	sadd.s32 $0x88, s3;
	s6 =	simm.s32 @!p1 $0x1082;
	[sflag:s4] =	ssyncset.s32 $0xFFFFF086  }
0x25: {  	[simem:s6], [sflag:s4] =	dma.local [hbm:s3], $0xF7A  }
0x26: {  	[smem:$0x3F9F] =	sst s1;
	(tag) =	ssettag s2;
	_ =	strace s9  }
0x27: {  	s1 =	sld [smem:$0x3FAF]  }
0x28: {  	s2 =	sld [smem:$0x3FB0]  }
0x29: {  	s4 =	sld [smem:$0x3FB2]  }
0x2a: {  	p0 =	seq.s32 s5, $0x0;
	s5 =	sld [smem:$0x3FB3]  }
0x2b: {  	s6 =	sld [smem:$0x3FB4]  }
0x2c: {  	s7 =	sld [smem:$0x3FB5]  }
0x2d: {  	s3 =	simm.s32 $0x108;
	s8 =	sld [smem:$0x3FB6]  }
0x2e: {  	s3 =	simm.s32 @!p0 $0x1082;
	s9 =	sld [smem:$0x3FB7]  }
0x2f: {  	lr =	sadd.s32 s0, s3;
	s0 =	sld [smem:$0x3FAE]  }
0x30: {  	s3 =	sld [smem:$0x3FB1]  }
0x31: {  	[smem:$0x3FBA] =	sst s10  }
0x32: {  	s10 =	sld [smem:$0x3FB8];
	_ =	sdelay $0x3  }
0x33: {  	p0 =	seq.s32 s10, $0x1;
	s10 =	sld [smem:$0x3FBA];
	_ =	sdelay $0x3  }
0x34: {  	[smem:$0x3FBA] =	sst s10  }
0x35: {  	s10 =	sld [smem:$0x3FB9];
	_ =	sdelay $0x3  }
0x36: {  	p1 =	seq.s32 s10, $0x1;
	s10 =	sld [smem:$0x3FBA];
	_ =	sdelay $0x3  }
0x37: {  	[smem:$0x3FBA] =	sst s10  }
0x38: {  	s10 =	sld [smem:$0x3FBB]  }
0x39: {  	_ = 	snop;
	(pc) =	sbr.ind lr, $3  }
0x3a: {  	_ = 	snop  }
0x3b: {  	_ = 	snop  }
0x3c: {  	p2 =	seq.s32 s10, $0x1;
	s10 =	sld [smem:$0x3FBA]  }
0x3d: {  	_ =	shalt  }
0x3e: {  	_ =	shalt  }
0x3f: {  	_ =	shalt  }
0x40: {  	_ =	shalt  }
0x41: {  	_ =	shalt  }
0x42: {  	_ =	shalt  }
0x43: {  	_ =	shalt  }
0x44: {  	_ =	shalt  }
0x45: {  	_ =	shalt  }
0x46: {  	_ =	shalt  }
0x47: {  	_ =	shalt  }
0x48: {  	_ =	shalt  }
0x49: {  	_ =	shalt  }
0x4a: {  	_ =	shalt  }
0x4b: {  	_ =	shalt  }
0x4c: {  	_ =	shalt  }
0x4d: {  	_ =	shalt  }
0x4e: {  	_ =	shalt  }
0x4f: {  	_ =	shalt  }
0x50: {  	_ =	shalt  }
0x51: {  	_ =	shalt  }
0x52: {  	_ =	shalt  }
0x53: {  	_ =	shalt  }
0x54: {  	_ =	shalt  }
0x55: {  	_ =	shalt  }
0x56: {  	_ =	shalt  }
0x57: {  	_ =	shalt  }
0x58: {  	_ =	shalt  }
0x59: {  	_ =	shalt  }
0x5a: {  	_ =	shalt  }
0x5b: {  	_ =	shalt  }
0x5c: {  	_ =	shalt  }
0x5d: {  	_ =	shalt  }
0x5e: {  	_ =	shalt  }
0x5f: {  	_ =	shalt  }
0x60: {  	_ =	shalt  }
0x61: {  	_ =	shalt  }
0x62: {  	_ =	shalt  }
0x63: {  	_ =	shalt  }
0x64: {  	_ =	shalt  }
0x65: {  	_ =	shalt  }
0x66: {  	_ =	shalt  }
0x67: {  	_ =	shalt  }
0x68: {  	_ =	shalt  }
0x69: {  	_ =	shalt  }
0x6a: {  	_ =	shalt  }
0x6b: {  	_ =	shalt  }
0x6c: {  	_ =	shalt  }
0x6d: {  	_ =	shalt  }
0x6e: {  	_ =	shalt  }
0x6f: {  	_ =	shalt  }
0x70: {  	_ =	shalt  }
0x71: {  	_ =	shalt  }
0x72: {  	_ =	shalt  }
0x73: {  	_ =	shalt  }
0x74: {  	_ =	shalt  }
0x75: {  	_ =	shalt  }
0x76: {  	_ =	shalt  }
0x77: {  	_ =	shalt  }
0x78: {  	_ =	shalt  }
0x79: {  	_ =	shalt  }
0x7a: {  	_ =	shalt  }
0x7b: {  	_ =	shalt  }
0x7c: {  	_ =	shalt  }
0x7d: {  	_ =	shalt  }
0x7e: {  	_ =	shalt  }
0x7f: {  	_ =	shalt  }
0x80: {  	_ =	shalt  }
0x81: {  	_ =	shalt  }
0x82: {  	_ =	shalt  }
0x83: {  	_ =	shalt  }
0x84: {  	_ =	shalt  }
0x85: {  	_ =	shalt  }
0x86: {  	_ =	shalt  }
0x87: {  	_ =	shalt  }
.Lfunc_end0:
.L_simem_size_0:
called_computation_lowered:
.L_overlay_start_0:
0x88: {  	s2 =	sld [smem:$0x3FD9]  }
0x89: {  	s3 =	sld [smem:$0x3FFE];
	_ =	sdelay $0x1  }
0x8a: {  	s1 =	srdreg.scid  }
0x8b: {  	s0 =	sand.u32 $0x1, s1  }
0x8c: {  	s18 =	sshll.u32 s0, $0xA;
	s2 =	sadd.s32 s3, s2  }
0x8d: {  	s2 =	sadd.s32 s2, s18  }
0x8e: {  	[smem:$0x3FC6] =	sst s2  }
0x8f: {  	_ = 	snop  }
0x90: {  	s2 =	sld [smem:$0x3FC9]  }
0x91: {  	s19 =	sld [smem:$0x3FC8]  }
0x92: {  	s4 =	sld [smem:$0x3FD0];
	(tm) =	ssettm $0x1  }
0x93: {  	s5 =	sld [smem:$0x3FFB];
	_ =	sdelay $0x3  }
0x94: {  	_ =	strace s5  }
0x95: {  	s5 =	sld [smem:$0x3FFC];
	_ =	sdelay $0x3  }
0x96: {  	_ =	strace s5  }
0x97: {  	s5 =	sld [smem:$0x3FFD];
	_ =	sdelay $0x3  }
0x98: {  	_ =	strace s5  }
0x99: {  	_ =	strace $0x8FFFFFFF  }
0x9a: {  	s20 =	sld [smem:$0x3FDB];
	_ =	sdelay $0x1  }
0x9b: {  	s6 =	simm.s32 $_scs_section_size  }
0x9c: {  	s7 =	simm.s32 $_size__tile_overlayer_lowered;
	s8 =	simm.s32 $_tile_overlayer_lowered  }
0x9d: {  	s23 =	simm.s32 $0x1BFF;
	s22 =	sshll.u32 s8, $0x1;
	s5 =	sadd.s32 s6, s20  }
0x9e: {  	s9 =	simm.s32 $0x0;
	s21 =	sshll.u32 s7, $0x1;
	s7 =	sadd.s32 s22, s5  }
0x9f: {  	[timem:s9], [sflag:s23] =	dma.local [hbm:s7], s21  }
0xa0: {  	_ =	swait.ge [sflag:s23], s21  }
0xa1: {  	s6 =	ssub.s32 $0x0, s21;
	[sflag:s23] =	ssyncset.done $0x0  }
0xa2: {  	[sflag:s23] =	ssyncadd.s32 s6;
	_ =	sdelay $0x1  }
0xa3: {  	s24 =	simm.s32 $0x1B8B  }
0xa4: {  	_ =	swait.ge [sflag:s24], $0x1  }
0xa5: {  	[sflag:s24] =	ssyncset.done $0x0  }
0xa6: {  	s25 =	simm.s32 $0x1B8E;
	[sflag:s24] =	ssyncadd.s32 $0xFFFFFFFF  }
0xa7: {  	s26 =	simm.s32 $execute0_lowered;
	[smem:$0x3FD2] =	sst s25  }
0xa8: {  	s6 =	sshll.u32 s26, $0x1;
	_ =	strace $0x80000046;
	[dreg:$0x1] =	wrdreg $0xFFFFFFFF  }
0xa9: {  	s28 =	simm.s32 $_size_execute0_lowered;
	s5 =	sadd.s32 s5, s6;
	[dreg:$0x0] =	wrdreg $0x0  }
0xaa: {  	s6 =	sshll.u32 s28, $0x1;
	[dreg:$0x2] =	wrdreg s5  }
0xab: {  	[dreg:$0x3] =	wrdreg s6  }
0xac: {  	[dreg:$0x4] =	wrdreg $0xC0  }
0xad: {  	_ =	task [dreg:s9], $0x5FFFF  }
0xae: {  	[dreg:$0x1] =	wrdreg $0xFFFFFFFF  }
0xaf: {  	[dreg:$0x0] =	wrdreg $0x60  }
0xb0: {  	[dreg:$0x2] =	wrdreg s2  }
0xb1: {  	[dreg:$0x3] =	wrdreg s19  }
0xb2: {  	[dreg:$0x4] =	wrdreg s4  }
0xb3: {  	[dreg:$0x5] =	wrdreg $0x9  }
0xb4: {  	_ =	task.clear_ibuf [dreg:s9], $0x6FFFF;
	_ =	strace $0x90000046  }
0xb5: {  	s29 =	simm.s32 $0x9;
	_ =	strace $0x80000048  }
0xb6: {  	_ =	swait.ge [sflag:s29], $0x1  }
0xb7: {  	[sflag:s29] =	ssyncadd.s32 $0xFFFFFFFF  }
0xb8: {  	_ =	strace $0x90000048  }
0xb9: {  	_ =	sfence  }
0xba: {  	s30 =	sld [smem:$0x0];
	_ =	sdelay $0x2  }
0xbb: {  	s31 =	sshll.u32 s1, $0xD;
	s1 =	sshrl.u32 s1, $0x2  }
0xbc: {  	s3 =	sand.u32 $0x4000, s31;
	s1 =	sadd.s32 s1, s30  }
0xbd: {  	s0 =	sor.u32 s3, s0;
	s1 =	sshll.u32 s1, $0x11  }
0xbe: {  	s0 =	sor.u32 s1, s0  }
0xbf: {  	s0 =	sadd.s32 $0x8F2B, s0  }
0xc0: {  	[sflag:s0] =	ssyncadd.remote.s32 $0x1  }
0xc1: {  	_ =	sfence.sel $0xFFFF  }
0xc2: {  	[dreg:$0x0] =	wrdreg $0xFFFFFFFF;
	(pc) =	sbr.abs _section_cstart, $3  }
0xc3: {  	[dreg:$0x1] =	wrdreg $0xFFFFFFFF  }
0xc4: {  	_ =	task.clear_ibuf [dreg:s9], $0x2FFFF;
	_ =	strace $0x9FFFFFFF  }
0xc5: {  	(tm) =	ssettm $0x7FFFFFFF  }
tec
execute0_lowered:
.L_overlay_start_1:
0x0: {  	(tag) =	ssettag $0x1  }
0x1: {  	s0 =	rddreg [dreg:$0x0];
	s1 =	srdreg.scid  }
0x2: {  	s11 =	stileid.u32;
	s2 =	rddreg [dreg:$0x1]  }
0x3: {  	s5 =	rddreg [dreg:$0x2];
	s17 =	simm.s32 $0xB;
	s18 =	simm.s32 $0x80  }
0x4: {  	s29 =	simm.s32 $0x16400;
	s1 =	sand.u32 $0x1, s1;
	s3 =	sshll.u32 s11, $0x1  }
0x5: {  	s30 =	simm.s32 $0x3;
	s24 =	smul.u32 $0xC8000, s11;
	s6 =	sor.u32 s1, s3  }
0x6: {  	s31 =	simm.s32 $0x6;
	s28 =	simm.s32 $0x5;
	s4 =	smul.u32 $0x6400, s6  }
0x7: {  	s3 =	simm.s32 $0x0;
	s7 =	ssub.s32 $0x2, s1;
	s8 =	smul.u32 $0x64000, s6  }
0x8: {  	s1 =	smul.u32 $0x64000, s1;
	[smem:$0x7FF] =	sst s3;
	s10 =	sshrl.u32 s4, $0x3  }
0x9: {  	s9 =	sshrl.u32 s7, $0x1;
	s4 =	sadd.s32 s5, s8;
	s0 =	sadd.s32 s0, s10  }
0xa: {  	_ =	strace $0x80000047;
	s19 =	sadd.s32 $0x800, s4;
	[dreg:$0x4] =	wrdreg s0  }
0xb: {  	s6 =	smul.u32 $0x320000, s6;
	s20 =	sadd.s32 $0x1000, s4;
	[dreg:$0x5] =	wrdreg s19  }
0xc: {  	s7 =	ssub.s32 s7, s9;
	s21 =	sadd.s32 $0x1800, s4;
	[dreg:$0x6] =	wrdreg s20  }
0xd: {  	s22 =	sshrl.u32 s6, $0x3;
	s23 =	sadd.s32 $0x2000, s4;
	[dreg:$0x7] =	wrdreg s21  }
0xe: {  	s15 =	smax.u32 s7, $0x1;
	s6 =	simm.s32 $0x0;
	[dreg:$0x8] =	wrdreg s23  }
0xf: {  	s0 =	sadd.s32 s5, s22;
	s5 =	sadd.s32 s24, s5;
	s19 =	simm.s32 $0x6400  }
0x10: {  	s20 =	simm.s32 $0xA400;
	s22 =	simm.s32 $0xE400;
	s23 =	simm.s32 $0x1  }
0x11: {  	s21 =	simm.s32 $0x7;
	s24 =	simm.s32 $0x9;
	s25 =	sadd.s32 $0x61800, s0  }
0x12: {  	s11 =	sadd.s32 $0x62000, s0;
	s12 =	sadd.s32 $0x62800, s0;
	s13 =	sadd.s32 $0x63000, s0  }
0x13: {  	s14 =	sadd.s32 $0x63800, s0;
	s26 =	sadd.s32 s1, s5;
	s0 =	simm.s32 $0x4  }
0x14: {  	s1 =	simm.s32 $0x8;
	s5 =	simm.s32 $0xA;
	[dreg:$0x9] =	wrdreg s25  }
0x15: {  	s16 =	sadd.s32 $0x4800, s26;
	s25 =	simm.s32 $0x12400;
	s26 =	simm.s32 $0x2  }
.LBB2_1:
0x16: {  	s7 =	rddreg [dreg:$0x4]  }
0x17: {  	[tilespmem:s3], [sflag:$0xB] =	stream.linear.gather [hbm4b:s7+s3], $0x6400, $0x38;
	[tilespmem:$0x1A400] =	vst v63  }
0x18: {  	_ =	swait.ge [sflag:s17], $0x6400  }
0x19: {  	[sflag:s17] =	ssyncset.done $0x0  }
0x1a: {  	[sflag:s17] =	ssyncadd.s32 $0xFFFF9C00  }
0x1b: {  	[tilespmem:s19], [sflag:$0x1] =	stream.indirect.gather [hbm4b:s2+s18], $0x80, s3, s18, $0xb8;
	[tilespmem:$0x1A400] =	vst v63  }
0x1c: {  	_ = 	snop  }
0x1d: {  	[tilespmem:s20], [sflag:$0x2] =	stream.indirect.gather [hbm4b:s2+s18], $0x80, s18, s18, $0xb8;
	[tilespmem:$0x1A400] =	vst v63  }
0x1e: {  	s8 =	simm.s32 $0x100  }
0x1f: {  	[tilespmem:s22], [sflag:$0x3] =	stream.indirect.gather [hbm4b:s2+s18], $0x80, s8, s18, $0xb8;
	[tilespmem:$0x1A400] =	vst v63  }
0x20: {  	_ =	swait.ge [sflag:s23], $0x4000  }
0x21: {  	[sflag:s23] =	ssyncset.done $0x0  }
0x22: {  	[sflag:s23] =	ssyncadd.s32 $0xFFFFC000  }
0x23: {  	[hbm4b:s4+s3] =	stream.linear.scatter [tilespmem:s19], [sflag:$0x6], $0x4000, $0x38;
	[tilespmem:$0x1A400] =	vst v63  }
0x24: {  	s9 =	simm.s32 $0x180  }
0x25: {  	[tilespmem:s25], [sflag:$0x4] =	stream.indirect.gather [hbm4b:s2+s18], $0x80, s9, s18, $0xb8;
	[tilespmem:$0x1A400] =	vst v63  }
0x26: {  	_ =	swait.ge [sflag:s26], $0x4000  }
0x27: {  	[sflag:s26] =	ssyncset.done $0x0  }
0x28: {  	s10 =	rddreg [dreg:$0x5];
	[sflag:s26] =	ssyncadd.s32 $0xFFFFC000  }
0x29: {  	[hbm4b:s10+s3] =	stream.linear.scatter [tilespmem:s20], [sflag:$0x7], $0x4000, $0x38;
	[tilespmem:$0x1A400] =	vst v63  }
0x2a: {  	s8 =	simm.s32 $0x200  }
0x2b: {  	[tilespmem:s29], [sflag:$0x5] =	stream.indirect.gather [hbm4b:s2+s18], $0x80, s8, s18, $0xb8;
	[tilespmem:$0x1A400] =	vst v63  }
0x2c: {  	_ =	swait.ge [sflag:s30], $0x4000  }
0x2d: {  	[sflag:s30] =	ssyncset.done $0x0  }
0x2e: {  	s9 =	rddreg [dreg:$0x6];
	[sflag:s30] =	ssyncadd.s32 $0xFFFFC000  }
0x2f: {  	[hbm4b:s9+s3] =	stream.linear.scatter [tilespmem:s22], [sflag:$0x8], $0x4000, $0x38;
	[tilespmem:$0x1A400] =	vst v63  }
0x30: {  	_ =	swait.ge [sflag:s31], $0x4000  }
0x31: {  	[sflag:s31] =	ssyncset.done $0x0  }
0x32: {  	s10 =	simm.s32 $0x280;
	[sflag:s31] =	ssyncadd.s32 $0xFFFFC000  }
0x33: {  	[tilespmem:s19], [sflag:$0x1] =	stream.indirect.gather [hbm4b:s2+s18], $0x80, s10, s18, $0xb8;
	[tilespmem:$0x1A400] =	vst v63  }
0x34: {  	_ =	swait.ge [sflag:s0], $0x4000  }
0x35: {  	[sflag:s0] =	ssyncset.done $0x0  }
0x36: {  	s8 =	rddreg [dreg:$0x7];
	[sflag:s0] =	ssyncadd.s32 $0xFFFFC000  }
0x37: {  	[hbm4b:s8+s3] =	stream.linear.scatter [tilespmem:s25], [sflag:$0x9], $0x4000, $0x38;
	[tilespmem:$0x1A400] =	vst v63  }
0x38: {  	_ =	swait.ge [sflag:s21], $0x4000  }
0x39: {  	[sflag:s21] =	ssyncset.done $0x0  }
0x3a: {  	s9 =	simm.s32 $0x300;
	[sflag:s21] =	ssyncadd.s32 $0xFFFFC000  }
0x3b: {  	[tilespmem:s20], [sflag:$0x2] =	stream.indirect.gather [hbm4b:s2+s18], $0x80, s9, s18, $0xb8;
	[tilespmem:$0x1A400] =	vst v63  }
0x3c: {  	_ =	swait.ge [sflag:s28], $0x4000  }
0x3d: {  	[sflag:s28] =	ssyncset.done $0x0  }
0x3e: {  	s10 =	rddreg [dreg:$0x8];
	[sflag:s28] =	ssyncadd.s32 $0xFFFFC000  }
0x3f: {  	[hbm4b:s10+s3] =	stream.linear.scatter [tilespmem:s29], [sflag:$0xA], $0x4000, $0x38;
	[tilespmem:$0x1A400] =	vst v63  }
0x40: {  	_ =	swait.ge [sflag:s1], $0x4000  }
0x41: {  	[sflag:s1] =	ssyncset.done $0x0  }
0x42: {  	s8 =	simm.s32 $0x380;
	[sflag:s1] =	ssyncadd.s32 $0xFFFFC000  }
0x43: {  	[tilespmem:s22], [sflag:$0x3] =	stream.indirect.gather [hbm4b:s2+s18], $0x80, s8, s18, $0xb8;
	[tilespmem:$0x1A400] =	vst v63  }
0x44: {  	_ =	swait.ge [sflag:s23], $0x4000  }
0x45: {  	[sflag:s23] =	ssyncset.done $0x0  }
0x46: {  	s9 =	sadd.s32 $0xFFFFE000, s16;
	[sflag:s23] =	ssyncadd.s32 $0xFFFFC000  }
0x47: {  	[hbm4b:s9+s3] =	stream.linear.scatter [tilespmem:s19], [sflag:$0x6], $0x4000, $0x38;
	[tilespmem:$0x1A400] =	vst v63  }
0x48: {  	_ =	swait.ge [sflag:s24], $0x4000  }
0x49: {  	[sflag:s24] =	ssyncset.done $0x0  }
0x4a: {  	s10 =	simm.s32 $0x400;
	[sflag:s24] =	ssyncadd.s32 $0xFFFFC000  }
0x4b: {  	[tilespmem:s25], [sflag:$0x4] =	stream.indirect.gather [hbm4b:s2+s18], $0x80, s10, s18, $0xb8;
	[tilespmem:$0x1A400] =	vst v63  }
0x4c: {  	_ =	swait.ge [sflag:s26], $0x4000  }
0x4d: {  	[sflag:s26] =	ssyncset.done $0x0  }
0x4e: {  	s8 =	sadd.s32 $0xFFFFE800, s16;
	[sflag:s26] =	ssyncadd.s32 $0xFFFFC000  }
0x4f: {  	[hbm4b:s8+s3] =	stream.linear.scatter [tilespmem:s20], [sflag:$0x7], $0x4000, $0x38;
	[tilespmem:$0x1A400] =	vst v63  }
0x50: {  	_ =	swait.ge [sflag:s5], $0x4000  }
0x51: {  	[sflag:s5] =	ssyncset.done $0x0  }
0x52: {  	s9 =	simm.s32 $0x480;
	[sflag:s5] =	ssyncadd.s32 $0xFFFFC000  }
0x53: {  	[tilespmem:s29], [sflag:$0x5] =	stream.indirect.gather [hbm4b:s2+s18], $0x80, s9, s18, $0xb8;
	[tilespmem:$0x1A400] =	vst v63  }
0x54: {  	_ =	swait.ge [sflag:s30], $0x4000  }
0x55: {  	[sflag:s30] =	ssyncset.done $0x0  }
0x56: {  	s10 =	sadd.s32 $0xFFFFF000, s16;
	[sflag:s30] =	ssyncadd.s32 $0xFFFFC000  }
0x57: {  	[hbm4b:s10+s3] =	stream.linear.scatter [tilespmem:s22], [sflag:$0x8], $0x4000, $0x38;
	[tilespmem:$0x1A400] =	vst v63  }
0x58: {  	_ =	swait.ge [sflag:s31], $0x4000  }
0x59: {  	[sflag:s31] =	ssyncset.done $0x0  }
0x5a: {  	s8 =	simm.s32 $0x500;
	[sflag:s31] =	ssyncadd.s32 $0xFFFFC000  }
0x5b: {  	[tilespmem:s19], [sflag:$0x1] =	stream.indirect.gather [hbm4b:s2+s18], $0x80, s8, s18, $0xb8;
	[tilespmem:$0x1A400] =	vst v63  }
0x5c: {  	_ =	swait.ge [sflag:s0], $0x4000  }
0x5d: {  	[sflag:s0] =	ssyncset.done $0x0  }
0x5e: {  	s9 =	sadd.s32 $0xFFFFF800, s16;
	[sflag:s0] =	ssyncadd.s32 $0xFFFFC000  }
0x5f: {  	[hbm4b:s9+s3] =	stream.linear.scatter [tilespmem:s25], [sflag:$0x9], $0x4000, $0x38;
	[tilespmem:$0x1A400] =	vst v63  }
0x60: {  	_ =	swait.ge [sflag:s21], $0x4000  }
0x61: {  	[sflag:s21] =	ssyncset.done $0x0  }
0x62: {  	s10 =	simm.s32 $0x580;
	[sflag:s21] =	ssyncadd.s32 $0xFFFFC000  }
0x63: {  	[tilespmem:s20], [sflag:$0x2] =	stream.indirect.gather [hbm4b:s2+s18], $0x80, s10, s18, $0xb8;
	[tilespmem:$0x1A400] =	vst v63  }
0x64: {  	_ =	swait.ge [sflag:s28], $0x4000  }
0x65: {  	[sflag:s28] =	ssyncset.done $0x0  }
0x66: {  	[sflag:s28] =	ssyncadd.s32 $0xFFFFC000  }
0x67: {  	[hbm4b:s16+s3] =	stream.linear.scatter [tilespmem:s29], [sflag:$0xA], $0x4000, $0x38;
	[tilespmem:$0x1A400] =	vst v63  }
0x68: {  	_ =	swait.ge [sflag:s1], $0x4000  }
0x69: {  	s7 =	simm.s32 $0xA00;
	[sflag:s1] =	ssyncset.done $0x0  }
0x6a: {  	s8 =	sadd.s32 $0x2800, s16;
	s9 =	simm.s32 $0x600;
	[sflag:s1] =	ssyncadd.s32 $0xFFFFC000  }
.LBB2_2:
0x6b: {  	[tilespmem:s22], [sflag:$0x3] =	stream.indirect.gather [hbm4b:s2+s18], $0x80, s9, s18, $0xb8;
	[tilespmem:$0x1A400] =	vst v63  }
0x6c: {  	s9 =	smov.u32 s7  }
0x6d: {  	p0 =	sne.s32 s7, $0x17200;
	s7 =	sadd.s32 $0xA00, s7;
	_ =	swait.ge [sflag:s23], $0x4000  }
0x6e: {  	[sflag:s23] =	ssyncset.done $0x0  }
0x6f: {  	s10 =	sadd.s32 $0xFFFFE000, s8;
	[sflag:s23] =	ssyncadd.s32 $0xFFFFC000  }
0x70: {  	[hbm4b:s10+s3] =	stream.linear.scatter [tilespmem:s19], [sflag:$0x6], $0x4000, $0x38;
	[tilespmem:$0x1A400] =	vst v63  }
0x71: {  	_ =	swait.ge [sflag:s24], $0x4000  }
0x72: {  	s9 =	sshra.s32 s9, $0x2;
	[sflag:s24] =	ssyncset.done $0x0  }
0x73: {  	s10 =	sadd.s32 $0x400, s9;
	[sflag:s24] =	ssyncadd.s32 $0xFFFFC000  }
0x74: {  	[tilespmem:s25], [sflag:$0x4] =	stream.indirect.gather [hbm4b:s2+s18], $0x80, s10, s18, $0xb8;
	[tilespmem:$0x1A400] =	vst v63  }
0x75: {  	_ =	swait.ge [sflag:s26], $0x4000  }
0x76: {  	[sflag:s26] =	ssyncset.done $0x0  }
0x77: {  	s10 =	sadd.s32 $0xFFFFE800, s8;
	[sflag:s26] =	ssyncadd.s32 $0xFFFFC000  }
0x78: {  	[hbm4b:s10+s3] =	stream.linear.scatter [tilespmem:s20], [sflag:$0x7], $0x4000, $0x38;
	[tilespmem:$0x1A400] =	vst v63  }
0x79: {  	_ =	swait.ge [sflag:s5], $0x4000  }
0x7a: {  	[sflag:s5] =	ssyncset.done $0x0  }
0x7b: {  	s10 =	sadd.s32 $0x480, s9;
	[sflag:s5] =	ssyncadd.s32 $0xFFFFC000  }
0x7c: {  	[tilespmem:s29], [sflag:$0x5] =	stream.indirect.gather [hbm4b:s2+s18], $0x80, s10, s18, $0xb8;
	[tilespmem:$0x1A400] =	vst v63  }
0x7d: {  	_ =	swait.ge [sflag:s30], $0x4000  }
0x7e: {  	[sflag:s30] =	ssyncset.done $0x0  }
0x7f: {  	s10 =	sadd.s32 $0xFFFFF000, s8;
	[sflag:s30] =	ssyncadd.s32 $0xFFFFC000  }
0x80: {  	[hbm4b:s10+s3] =	stream.linear.scatter [tilespmem:s22], [sflag:$0x8], $0x4000, $0x38;
	[tilespmem:$0x1A400] =	vst v63  }
0x81: {  	_ =	swait.ge [sflag:s31], $0x4000  }
0x82: {  	[sflag:s31] =	ssyncset.done $0x0  }
0x83: {  	s10 =	sadd.s32 $0x500, s9;
	[sflag:s31] =	ssyncadd.s32 $0xFFFFC000  }
0x84: {  	[tilespmem:s19], [sflag:$0x1] =	stream.indirect.gather [hbm4b:s2+s18], $0x80, s10, s18, $0xb8;
	[tilespmem:$0x1A400] =	vst v63  }
0x85: {  	_ =	swait.ge [sflag:s0], $0x4000  }
0x86: {  	[sflag:s0] =	ssyncset.done $0x0  }
0x87: {  	s10 =	sadd.s32 $0xFFFFF800, s8;
	[sflag:s0] =	ssyncadd.s32 $0xFFFFC000  }
0x88: {  	[hbm4b:s10+s3] =	stream.linear.scatter [tilespmem:s25], [sflag:$0x9], $0x4000, $0x38;
	[tilespmem:$0x1A400] =	vst v63  }
0x89: {  	_ =	swait.ge [sflag:s21], $0x4000  }
0x8a: {  	[sflag:s21] =	ssyncset.done $0x0  }
0x8b: {  	s10 =	sadd.s32 $0x580, s9;
	[sflag:s21] =	ssyncadd.s32 $0xFFFFC000  }
0x8c: {  	[tilespmem:s20], [sflag:$0x2] =	stream.indirect.gather [hbm4b:s2+s18], $0x80, s10, s18, $0xb8;
	[tilespmem:$0x1A400] =	vst v63  }
0x8d: {  	_ =	swait.ge [sflag:s28], $0x4000  }
0x8e: {  	[sflag:s28] =	ssyncset.done $0x0  }
.Ltmp0:
0x8f: {  	[sflag:s28] =	ssyncadd.s32 $0xFFFFC000;
	(pc) =	sbr.rel @p0 .LBB2_2-.Ltmp0, $4  }
0x90: {  	[hbm4b:s8+s3] =	stream.linear.scatter [tilespmem:s29], [sflag:$0xA], $0x4000, $0x38;
	[tilespmem:$0x1A400] =	vst v63  }
0x91: {  	_ =	swait.ge [sflag:s1], $0x4000  }
0x92: {  	[sflag:s1] =	ssyncset.done $0x0  }
0x93: {  	s9 =	sadd.s32 $0x600, s9;
	s8 =	sadd.s32 $0x2800, s8;
	[sflag:s1] =	ssyncadd.s32 $0xFFFFC000  }
0x94: {  	[tilespmem:s22], [sflag:$0x3] =	stream.indirect.gather [hbm4b:s2+s18], $0x80, s9, s18, $0xb8;
	[tilespmem:$0x1A400] =	vst v63  }
0x95: {  	_ =	swait.ge [sflag:s23], $0x4000  }
0x96: {  	[sflag:s23] =	ssyncset.done $0x0  }
0x97: {  	s7 =	rddreg [dreg:$0x9];
	[sflag:s23] =	ssyncadd.s32 $0xFFFFC000  }
0x98: {  	[hbm4b:s7+s3] =	stream.linear.scatter [tilespmem:s19], [sflag:$0x6], $0x4000, $0x38;
	[tilespmem:$0x1A400] =	vst v63  }
0x99: {  	_ =	swait.ge [sflag:s24], $0x4000  }
0x9a: {  	[sflag:s24] =	ssyncset.done $0x0  }
0x9b: {  	s9 =	simm.s32 $0x6300;
	[sflag:s24] =	ssyncadd.s32 $0xFFFFC000  }
0x9c: {  	[tilespmem:s25], [sflag:$0x4] =	stream.indirect.gather [hbm4b:s2+s18], $0x80, s9, s18, $0xb8;
	[tilespmem:$0x1A400] =	vst v63  }
0x9d: {  	_ =	swait.ge [sflag:s26], $0x4000  }
0x9e: {  	[sflag:s26] =	ssyncset.done $0x0  }
0x9f: {  	[sflag:s26] =	ssyncadd.s32 $0xFFFFC000  }
0xa0: {  	[hbm4b:s11+s3] =	stream.linear.scatter [tilespmem:s20], [sflag:$0x7], $0x4000, $0x38;
	[tilespmem:$0x1A400] =	vst v63  }
0xa1: {  	_ =	swait.ge [sflag:s5], $0x4000  }
0xa2: {  	[sflag:s5] =	ssyncset.done $0x0  }
0xa3: {  	s10 =	simm.s32 $0x6380;
	[sflag:s5] =	ssyncadd.s32 $0xFFFFC000  }
0xa4: {  	[tilespmem:s29], [sflag:$0x5] =	stream.indirect.gather [hbm4b:s2+s18], $0x80, s10, s18, $0xb8;
	[tilespmem:$0x1A400] =	vst v63  }
0xa5: {  	_ =	swait.ge [sflag:s30], $0x4000  }
0xa6: {  	[sflag:s30] =	ssyncset.done $0x0  }
0xa7: {  	[sflag:s30] =	ssyncadd.s32 $0xFFFFC000  }
0xa8: {  	[hbm4b:s12+s3] =	stream.linear.scatter [tilespmem:s22], [sflag:$0x8], $0x4000, $0x38;
	[tilespmem:$0x1A400] =	vst v63  }
0xa9: {  	_ =	swait.ge [sflag:s31], $0x4000  }
0xaa: {  	[sflag:s31] =	ssyncset.done $0x0  }
0xab: {  	[sflag:s31] =	ssyncadd.s32 $0xFFFFC000  }
0xac: {  	_ =	swait.ge [sflag:s0], $0x4000  }
0xad: {  	[sflag:s0] =	ssyncset.done $0x0  }
0xae: {  	[sflag:s0] =	ssyncadd.s32 $0xFFFFC000  }
0xaf: {  	[hbm4b:s13+s3] =	stream.linear.scatter [tilespmem:s25], [sflag:$0x9], $0x4000, $0x38;
	[tilespmem:$0x1A400] =	vst v63  }
0xb0: {  	_ =	swait.ge [sflag:s21], $0x4000  }
0xb1: {  	[sflag:s21] =	ssyncset.done $0x0  }
0xb2: {  	[sflag:s21] =	ssyncadd.s32 $0xFFFFC000  }
0xb3: {  	_ =	swait.ge [sflag:s28], $0x4000  }
0xb4: {  	[sflag:s28] =	ssyncset.done $0x0  }
0xb5: {  	[sflag:s28] =	ssyncadd.s32 $0xFFFFC000  }
0xb6: {  	[hbm4b:s14+s3] =	stream.linear.scatter [tilespmem:s29], [sflag:$0xA], $0x4000, $0x38;
	[tilespmem:$0x1A400] =	vst v63  }
0xb7: {  	_ =	swait.ge [sflag:s1], $0x4000  }
0xb8: {  	[sflag:s1] =	ssyncset.done $0x0  }
0xb9: {  	s6 =	sadd.s32 $0x1, s6;
	[sflag:s1] =	ssyncadd.s32 $0xFFFFC000  }
0xba: {  	p0 =	sne.s32 s6, s15;
	_ =	swait.ge [sflag:s24], $0x4000  }
.Ltmp1:
0xbb: {  	[sflag:s24] =	ssyncset.done $0x0;
	(pc) =	sbr.rel @p0 .LBB2_1-.Ltmp1, $4  }
0xbc: {  	[sflag:s24] =	ssyncadd.s32 $0xFFFFC000  }
0xbd: {  	_ =	swait.ge [sflag:s5], $0x4000  }
0xbe: {  	[sflag:s5] =	ssyncset.done $0x0  }
0xbf: {  	[sflag:s5] =	ssyncadd.s32 $0xFFFFC000  }
0xc0: {  	_ =	sfence.sel $0x180000  }
0xc1: {  	[bflag:$0x0] =	sbarrier.arrive $0xFFFF  }
0xc2: {  	_ =	strace $0x90000047  }
0xc3: {  	s0 =	stileid.u32;
	[bflag:$0x2] =	sbarrier.arrive $0xFFFF  }
0xc4: {  	p0 =	sne.s32 s0, $0x0;
	s0 =	rddreg [dreg:$0x3]  }
0xc5: {  	s0 =	sadd.s32 @!p0 $0x100000, s0  }
0xc6: {  	[sflag:s0] =	ssyncadd.tile.s32 @!p0 $0x1;
	_ =	shalt  }
.Lfunc_end2:
_tile_overlayer_lowered:
.L_overlay_start_2:
0xc7: {  	(tag) =	ssettag $0x2  }
0xc8: {  	s0 =	rddreg [dreg:$0x0];
	s2 =	stileid.u32  }
0xc9: {  	s1 =	rddreg [dreg:$0x1];
	p0 =	sne.s32 s2, $0x0  }
0xca: {  	s3 =	rddreg [dreg:$0x2];
	[bflag:$0x3] =	sbarrier.arrive $0xFFFF;
	s2 =	simm.s32 @!p0 $0x1C0B  }
0xcb: {  	[timem:s3], [sflag:s2] =	dma.local @!p0 [hbm:s0], s1  }
0xcc: {  	s0 =	simm.s32 @!p0 $0xB  }
0xcd: {  	_ =	swait.ge @!p0 [sflag:s0], s1  }
0xce: {  	s1 =	ssub.s32 @!p0 $0x0, s1;
	[sflag:s0] =	ssyncset.done @!p0 $0x0  }
0xcf: {  	[sflag:s0] =	ssyncadd.s32 @!p0 s1  }
0xd0: {  	[bflag:$0x3] =	sbarrier.arrive $0xFFFF  }
0xd1: {  	_ =	shalt  }

</sc_bundles>
